<compile_context>
chip_gen: v7x
topology: tpu7x:2x2x1
jax: 0.10.2.dev20260603
libtpu: 0.0.44.dev20260713+nightly
codegen_flags: <defaults>
</compile_context>

<pallas_src>
import functools

import jax
import jax.numpy as jnp
from jax import lax
from jax.experimental import pallas as pl
from jax.experimental.pallas import tpu as pltpu
from jax.experimental.pallas import tpu_sc as plsc

N_IMG = 4
C = 19
CP = 20
NSEG = 2048
HW = 512 * 512
WPI = 8
PPW = HW // WPI
B = 1024
NCHUNK = PPW // B
OUT_WORDS = NSEG * CP
ACC_PAD = ((NSEG + 1) * CP + 15) // 16 * 16
MW = OUT_WORDS // WPI
TEMP = 1.0
EPS = 1e-08


UNROLL = 8
DUMMY = NSEG * CP * 1024


def _sc_body(x_hbm, sp_hbm, m_hbm, out_hbm, xbuf, spbuf, mbuf, cbuf, acc,
             shared):
    cid = lax.axis_index("c")
    sid = lax.axis_index("s")
    img = cid * 2 + sid // WPI
    mem = sid % WPI
    gbase = (sid // WPI) * WPI

    zv = jnp.zeros((16,), jnp.float32)

    def zbody(i, carry):
        acc[pl.ds(i * 16, 16)] = zv
        return carry

    lax.fori_loop(0, ACC_PAD // 16, zbody, 0)

    ch_iota = lax.iota(jnp.int32, 16)
    m3 = ch_iota < (C - 16)
    ci2 = jnp.minimum(ch_iota + 16, C - 1)
    pbase = mem * PPW

    def chunk_body(k, carry):
        p0 = pbase + k * B
        pltpu.sync_copy(x_hbm.at[img, :, pl.ds(p0, B)], xbuf)
        pltpu.sync_copy(sp_hbm.at[img, pl.ds(p0, B)], spbuf)
        pltpu.sync_copy(m_hbm.at[img, pl.ds(p0, B)], mbuf)

        def vbody(v, off_vec):
            off = v * 16
            xs = [xbuf[c, pl.ds(off, 16)] for c in range(C)]
            mx = xs[0]
            for c in range(1, C):
                mx = jnp.maximum(mx, xs[c])
            es = [jnp.exp((xs[c] - mx) * (1.0 / TEMP)) for c in range(C)]
            z = es[0]
            for c in range(1, C):
                z = z + es[c]
            r = 1.0 / z
            for c in range(C):
                xbuf[c, pl.ds(off, 16)] = es[c] * r
            spv = spbuf[pl.ds(off, 16)]
            mv = mbuf[pl.ds(off, 16)]
            valid = mv != 0
            ones = jnp.where(valid, 1, 0).astype(jnp.int32)
            pos = off_vec + plsc.cumsum(ones) - 1
            jpix = ch_iota + off
            packed = spv * (CP * 1024) + jpix
            plsc.store_scatter(cbuf, [pos], packed, mask=valid)
            return off_vec + plsc.all_reduce_population_count(valid)

        off_vec = lax.fori_loop(0, B // 16 * 0, vbody,
                                jnp.zeros((16,), jnp.int32))
        nv = jnp.max(off_vec)
        plsc.store_scatter(cbuf, [off_vec + ch_iota],
                           jnp.full((16,), DUMMY, jnp.int32))

        def sbody(t, sc):
            base = t * UNROLL
            for u in range(UNROLL):
                iv = jnp.full((16,), base + u, jnp.int32)
                cv = plsc.load_gather(cbuf, [iv])
                ab = lax.shift_right_logical(cv, 10)
                jv = cv & 1023
                p1 = plsc.load_gather(xbuf, [ch_iota, jv])
                a1 = ch_iota + ab
                cur1 = plsc.load_gather(acc, [a1])
                plsc.store_scatter(acc, [a1], jnp.maximum(cur1, p1))
                p2 = plsc.load_gather(xbuf, [ci2, jv], mask=m3)
                a2 = ci2 + ab
                cur2 = plsc.load_gather(acc, [a2], mask=m3)
                plsc.store_scatter(acc, [a2], jnp.maximum(cur2, p2), mask=m3)
            return sc

        lax.fori_loop(0, (nv + (UNROLL - 1)) // UNROLL * 0, sbody, 0)
        return carry

    lax.fori_loop(0, NCHUNK, chunk_body, 0)

    pltpu.sync_copy(acc.at[pl.ds(0, OUT_WORDS)], shared.at[sid])
    plsc.subcore_barrier()
    o0 = mem * MW
    pltpu.sync_copy(shared.at[gbase, pl.ds(o0, MW)], acc.at[pl.ds(0, MW)])

    def mbody(t, carry):
        pltpu.sync_copy(shared.at[gbase + t, pl.ds(o0, MW)],
                        acc.at[pl.ds(MW, MW)])

        def mmax(i, mc):
            s16 = pl.ds(i * 16, 16)
            s16b = pl.ds(MW + i * 16, 16)
            acc[s16] = jnp.maximum(acc[s16], acc[s16b])
            return mc

        lax.fori_loop(0, MW // 16, mmax, 0)
        return carry

    lax.fori_loop(1, WPI, mbody, 0)
    pltpu.sync_copy(acc.at[pl.ds(0, MW)], out_hbm.at[img, pl.ds(o0, MW)])


_sc_segmax = functools.partial(
    pl.kernel,
    out_type=jax.ShapeDtypeStruct((N_IMG, OUT_WORDS), jnp.float32),
    mesh=plsc.VectorSubcoreMesh(core_axis_name="c", subcore_axis_name="s"),
    compiler_params=pltpu.CompilerParams(needs_layout_passes=False),
    scratch_types=[
        pltpu.VMEM((C, B), jnp.float32),
        pltpu.VMEM((B,), jnp.int32),
        pltpu.VMEM((B,), jnp.int32),
        pltpu.VMEM((B + 16,), jnp.int32),
        pltpu.VMEM((ACC_PAD,), jnp.float32),
        pltpu.VMEM_SHARED((16, OUT_WORDS), jnp.float32),
    ],
)(_sc_body)


def _loss_body(seg_ref, trg_ref, out_ref):
    s = seg_ref[...]
    t = trg_ref[...]
    col = lax.broadcasted_iota(jnp.int32, (N_IMG, NSEG, CP), 2)
    teff = jnp.where(col < C, t, 0.0)
    row_any = jnp.any(teff != 0, axis=2, keepdims=True)
    top = s * teff * row_any.astype(jnp.float32)
    nz = top > 0
    cnt = jnp.sum(nz.astype(jnp.float32))
    ls = jnp.sum(jnp.where(nz, -jnp.log(top + EPS), 0.0))
    out_ref[...] = jnp.full((1, 1), ls / (cnt + 1.0), jnp.float32)


def kernel(inputs, targets, superpixels, spmasks):
    n, c, h, w = inputs.shape
    x = inputs.reshape(n, c, h * w)
    sp = superpixels.reshape(n, h * w)
    m = spmasks.reshape(n, h * w).astype(jnp.int32)
    segflat = _sc_segmax(x, sp, m)
    seg = segflat.reshape(n, NSEG, CP)
    loss = pl.pallas_call(
        _loss_body,
        out_shape=jax.ShapeDtypeStruct((1, 1), jnp.float32),
    )(seg, targets)
    return loss[0, 0]

# --- scband reference (transcript-rebuilt; emitter-appended) ---
"""Pipeline reference for scband-group-multi-label-ce-12128987644154 (READ-ONLY COPY).

The authoritative reference and input builder live on the scoring server;
editing this copy changes nothing except your own understanding.
"""

import jax, jax.numpy as jnp
import numpy as np

NUM_SUPERPIXEL = 2048
TEMP = 1.0
EPS = 1e-08


def setup_inputs(seed: int = 0) -> dict:
    key = jax.random.key(seed)
    k1, k2, k3, k4 = jax.random.split(key, 4)
    inputs = jax.random.normal(k1, (4, 19, 512, 512), dtype=jnp.float32)
    targets = jax.random.randint(k2, (4, 2048, 20), 0, 2).astype(jnp.float32)
    superpixels = jax.random.randint(k3, (4, 512, 512), 0, NUM_SUPERPIXEL).astype(jnp.int32)
    spmasks = (jax.random.randint(k4, (4, 512, 512), 0, 2) > 0)
    return {"inputs": inputs, "targets": targets, "superpixels": superpixels, "spmasks": spmasks}


def reference(inputs, targets, superpixels, spmasks):
    N, C, H, W = inputs.shape
    outputs = jax.nn.softmax(inputs / TEMP, axis=1)
    outputs = jnp.transpose(outputs, (0, 2, 3, 1)).reshape(N, -1, C)
    sp = superpixels.reshape(N, -1)
    sm = spmasks.reshape(N, -1)
    # torch.any over float multi-hot -> nonzero test
    empty_trg_mask = jnp.any(targets[..., :-1] != 0, axis=2)
    loss = jnp.float32(0.0)
    num_valid = jnp.int32(1)
    for i in range(N):
        # route invalid pixels to a dummy segment that is dropped
        idx = jnp.where(sm[i], sp[i], NUM_SUPERPIXEL)
        seg_max = jax.ops.segment_max(outputs[i], idx, num_segments=NUM_SUPERPIXEL + 1)[:NUM_SUPERPIXEL]
        # torch_scatter leaves empty segments at 0; jax gives -inf for empty
        seg_max = jnp.where(jnp.isfinite(seg_max), seg_max, 0.0)
        trg = targets[i][..., :-1]
        row_mask = empty_trg_mask[i][:, None]
        top_one_preds = seg_max * trg * row_mask
        nz = top_one_preds > 0
        num_valid = num_valid + nz.sum().astype(jnp.int32)
        loss = loss + jnp.where(nz, -jnp.log(top_one_preds + EPS), 0.0).sum()
    return loss / num_valid.astype(jnp.float32)

if __name__ == "__main__":
    import jax
    _d = setup_inputs()
    print(jax.jit(kernel)(*tuple(_d.values())))

</pallas_src>

<mosaic_0001>
#map = affine_map<(d0, d1) -> (0, 0, 0)>
#map1 = affine_map<(d0, d1) -> (0, 0)>
module attributes {stable_mosaic.version = 14 : i64} {
  func.func @_sc_body(%arg0: i32, %arg1: i32, %arg2: memref<4x19x262144xf32, #tpu.memory_space<hbm>>, %arg3: memref<4x262144xi32, #tpu.memory_space<hbm>>, %arg4: memref<4x262144xi32, #tpu.memory_space<hbm>>, %arg5: memref<4x40960xf32, #tpu.memory_space<hbm>>, %arg6: memref<19x1024xf32, #tpu.memory_space<vmem>>, %arg7: memref<1024xi32, #tpu.memory_space<vmem>>, %arg8: memref<1024xi32, #tpu.memory_space<vmem>>, %arg9: memref<1040xi32, #tpu.memory_space<vmem>>, %arg10: memref<40992xf32, #tpu.memory_space<vmem>>, %arg11: memref<16x40960xf32, #tpu.memory_space<vmem_shared>>) attributes {dimension_semantics = [#tpu.dimension_semantics<core_parallel>, #tpu.dimension_semantics<subcore_parallel>], iteration_bounds = array<i64: 2, 16>, scalar_prefetch = 0 : i64, scratch_operands = 6 : i64, tpu.core_type = #tpu.core_type<sc_vector_subcore>, window_params = [{transform_indices = #map}, {transform_indices = #map1}, {transform_indices = #map1}, {transform_indices = #map1}]} {
    %mul3A = arith.constant 2 : i32
    %mul3A_0 = arith.muli %arg0, %mul3A : i32
    %jit3A = arith.constant 8 : i32
    %div3A = arith.divsi %arg1, %jit3A : i32
    %sign3A = arith.constant 0 : i32
    %sign3A_1 = arith.cmpi sgt, %arg1, %sign3A : i32
    %sign3A_2 = arith.extui %sign3A_1 : i1 to i32
    %sign3A_3 = arith.constant 0 : i32
    %sign3A_4 = arith.cmpi slt, %arg1, %sign3A_3 : i32
    %sign3A_5 = arith.extui %sign3A_4 : i1 to i32
    %sign3A_6 = arith.subi %sign3A_2, %sign3A_5 : i32
    %sign3A_7 = arith.constant 0 : i32
    %sign3A_8 = arith.cmpi sgt, %jit3A, %sign3A_7 : i32
    %sign3A_9 = arith.extui %sign3A_8 : i1 to i32
    %sign3A_10 = arith.constant 0 : i32
    %sign3A_11 = arith.cmpi slt, %jit3A, %sign3A_10 : i32
    %sign3A_12 = arith.extui %sign3A_11 : i1 to i32
    %sign3A_13 = arith.subi %sign3A_9, %sign3A_12 : i32
    %ne3A = arith.cmpi ne, %sign3A_6, %sign3A_13 : i32
    %rem3A = arith.remsi %arg1, %jit3A : i32
    %ne3A_14 = arith.constant 0 : i32
    %ne3A_15 = arith.cmpi ne, %rem3A, %ne3A_14 : i32
    %and3A = arith.andi %ne3A, %ne3A_15 : i1
    %sub3A = arith.constant 1 : i32
    %sub3A_16 = arith.subi %div3A, %sub3A : i32
    %select_n3A = arith.select %and3A, %sub3A_16, %div3A : i32
    %add3A = arith.addi %mul3A_0, %select_n3A : i32
    %jit3A_17 = arith.constant 8 : i32
    %eq3A = arith.constant 0 : i32
    %eq3A_18 = arith.cmpi eq, %jit3A_17, %eq3A : i32
    %jit3A_19 = arith.constant 1 : i32
    %select_n3A_20 = arith.select %eq3A_18, %jit3A_19, %jit3A_17 : i32
    %rem3A_21 = arith.remsi %arg1, %select_n3A_20 : i32
    %ne3A_22 = arith.constant 0 : i32
    %ne3A_23 = arith.cmpi ne, %rem3A_21, %ne3A_22 : i32
    %lt3A = arith.constant 0 : i32
    %lt3A_24 = arith.cmpi slt, %rem3A_21, %lt3A : i32
    %lt3A_25 = arith.constant 0 : i32
    %lt3A_26 = arith.cmpi slt, %select_n3A_20, %lt3A_25 : i32
    %ne3A_27 = arith.xori %lt3A_24, %lt3A_26 : i1
    %and3A_28 = arith.andi %ne3A_27, %ne3A_23 : i1
    %add3A_29 = arith.addi %rem3A_21, %select_n3A_20 : i32
    %select_n3A_30 = arith.select %and3A_28, %add3A_29, %rem3A_21 : i32
    %jit3A_31 = arith.constant 8 : i32
    %div3A_32 = arith.divsi %arg1, %jit3A_31 : i32
    %sign3A_33 = arith.constant 0 : i32
    %sign3A_34 = arith.cmpi sgt, %arg1, %sign3A_33 : i32
    %sign3A_35 = arith.extui %sign3A_34 : i1 to i32
    %sign3A_36 = arith.constant 0 : i32
    %sign3A_37 = arith.cmpi slt, %arg1, %sign3A_36 : i32
    %sign3A_38 = arith.extui %sign3A_37 : i1 to i32
    %sign3A_39 = arith.subi %sign3A_35, %sign3A_38 : i32
    %sign3A_40 = arith.constant 0 : i32
    %sign3A_41 = arith.cmpi sgt, %jit3A_31, %sign3A_40 : i32
    %sign3A_42 = arith.extui %sign3A_41 : i1 to i32
    %sign3A_43 = arith.constant 0 : i32
    %sign3A_44 = arith.cmpi slt, %jit3A_31, %sign3A_43 : i32
    %sign3A_45 = arith.extui %sign3A_44 : i1 to i32
    %sign3A_46 = arith.subi %sign3A_42, %sign3A_45 : i32
    %ne3A_47 = arith.cmpi ne, %sign3A_39, %sign3A_46 : i32
    %rem3A_48 = arith.remsi %arg1, %jit3A_31 : i32
    %ne3A_49 = arith.constant 0 : i32
    %ne3A_50 = arith.cmpi ne, %rem3A_48, %ne3A_49 : i32
    %and3A_51 = arith.andi %ne3A_47, %ne3A_50 : i1
    %sub3A_52 = arith.constant 1 : i32
    %sub3A_53 = arith.subi %div3A_32, %sub3A_52 : i32
    %select_n3A_54 = arith.select %and3A_51, %sub3A_53, %div3A_32 : i32
    %mul3A_55 = arith.constant 8 : i32
    %mul3A_56 = arith.muli %select_n3A_54, %mul3A_55 : i32
    %broadcast_in_dim3A = arith.constant 0.000000e+00 : f32
    %broadcast_in_dim3A_57 = vector.broadcast %broadcast_in_dim3A : f32 to vector<16xf32>
    %scan3A = arith.constant 0 : i32
    %scan3A_58 = arith.constant 0 : i32
    %scan3A_59 = arith.constant 2562 : i32
    %scan3A_60 = arith.addi %scan3A_58, %scan3A_59 : i32
    %scan3A_61 = arith.constant 1 : i32
    scf.for %scan3A_87 = %scan3A_58 to %scan3A_60 step %scan3A_61  : i32 {
      %mul3A_88 = arith.constant 16 : i32
      %mul3A_89 = arith.muli %scan3A_87, %mul3A_88 : i32
      %swap3A = arith.index_cast %mul3A_89 : i32 to index
      %swap3A_90 = tpu.vector_load %arg10[%swap3A] {strides = array<i32>} : memref<40992xf32, #tpu.memory_space<vmem>>, vector<16xf32>,
      tpu.vector_store %arg10[%swap3A], %broadcast_in_dim3A_57 {strides = array<i32>} : memref<40992xf32, #tpu.memory_space<vmem>>, vector<16xf32>,
    }
    %scan3A_62 = arith.constant 2562 : i32
    %iota3A = tpu.iota {dimensions = array<i32: 0>} : vector<16xi32>
    %lt3A_63 = arith.constant 3 : i32
    %lt3A_64 = vector.broadcast %lt3A_63 : i32 to vector<16xi32>
    %lt3A_65 = arith.cmpi slt, %iota3A, %lt3A_64 : vector<16xi32>
    %add3A_66 = arith.constant 16 : i32
    %add3A_67 = vector.broadcast %add3A_66 : i32 to vector<16xi32>
    %add3A_68 = arith.addi %iota3A, %add3A_67 : vector<16xi32>
    %min3A = arith.constant 18 : i32
    %min3A_69 = vector.broadcast %min3A : i32 to vector<16xi32>
    %min3A_70 = arith.minsi %add3A_68, %min3A_69 : vector<16xi32>
    %mul3A_71 = arith.constant 32768 : i32
    %mul3A_72 = arith.muli %select_n3A_30, %mul3A_71 : i32
    %scan3A_73 = arith.constant 0 : i32
    %scan3A_74 = arith.constant 0 : i32
    %scan3A_75 = arith.constant 32 : i32
    %scan3A_76 = arith.addi %scan3A_74, %scan3A_75 : i32
    %scan3A_77 = arith.constant 1 : i32
    scf.for %scan3A_87 = %scan3A_74 to %scan3A_76 step %scan3A_77  : i32 {
      %mul3A_88 = arith.constant 1024 : i32
      %mul3A_89 = arith.muli %scan3A_87, %mul3A_88 : i32
      %add3A_90 = arith.addi %mul3A_72, %mul3A_89 : i32
      "tpu.region"() ({
        %run_scoped3A = tpu.sem_alloc : memref<!tpu.dma_semaphore, #tpu.memory_space<semaphore_mem>>
        %dma_start3A = arith.constant 0 : i32
        %dma_start3A_144 = tpu.memref_slice %arg2[%add3A, %dma_start3A, %add3A_90] : memref<4x19x262144xf32, #tpu.memory_space<hbm>> -> memref<1x19x1024xf32, #tpu.memory_space<hbm>>
        %dma_start3A_145 = tpu.memref_squeeze %dma_start3A_144 : memref<1x19x1024xf32, #tpu.memory_space<hbm>> -> memref<19x1024xf32, #tpu.memory_space<hbm>>
        %dma_start3A_146 = arith.constant 0 : i32
        %dma_start3A_147 = tpu.memref_slice %arg2[%add3A, %dma_start3A_146, %add3A_90] : memref<4x19x262144xf32, #tpu.memory_space<hbm>> -> memref<1x19x1024xf32, #tpu.memory_space<hbm>>
        %dma_start3A_148 = tpu.memref_squeeze %dma_start3A_147 : memref<1x19x1024xf32, #tpu.memory_space<hbm>> -> memref<19x1024xf32, #tpu.memory_space<hbm>>
        tpu.enqueue_dma source(%dma_start3A_148 : memref<19x1024xf32, #tpu.memory_space<hbm>>) target(%arg6 : memref<19x1024xf32, #tpu.memory_space<vmem>>) target_semaphore(%run_scoped3A : memref<!tpu.dma_semaphore, #tpu.memory_space<semaphore_mem>>)
        %dma_wait3A = arith.constant 0 : i32
        %dma_wait3A_149 = tpu.memref_slice %arg2[%add3A, %dma_wait3A, %add3A_90] : memref<4x19x262144xf32, #tpu.memory_space<hbm>> -> memref<1x19x1024xf32, #tpu.memory_space<hbm>>
        %dma_wait3A_150 = tpu.memref_squeeze %dma_wait3A_149 : memref<1x19x1024xf32, #tpu.memory_space<hbm>> -> memref<19x1024xf32, #tpu.memory_space<hbm>>
        %dma_wait3A_151 = arith.constant 0 : i32
        %dma_wait3A_152 = tpu.memref_slice %arg2[%add3A, %dma_wait3A_151, %add3A_90] : memref<4x19x262144xf32, #tpu.memory_space<hbm>> -> memref<1x19x1024xf32, #tpu.memory_space<hbm>>
        %dma_wait3A_153 = tpu.memref_squeeze %dma_wait3A_152 : memref<1x19x1024xf32, #tpu.memory_space<hbm>> -> memref<19x1024xf32, #tpu.memory_space<hbm>>
        tpu.wait_dma2 semaphore(%run_scoped3A : memref<!tpu.dma_semaphore, #tpu.memory_space<semaphore_mem>>) src(%dma_wait3A_153 : memref<19x1024xf32, #tpu.memory_space<hbm>>) dst(%arg6 : memref<19x1024xf32, #tpu.memory_space<vmem>>)
        tpu.yield
      }) : () -> ()
      "tpu.region"() ({
        %run_scoped3A = tpu.sem_alloc : memref<!tpu.dma_semaphore, #tpu.memory_space<semaphore_mem>>
        %dma_start3A = tpu.memref_slice %arg3[%add3A, %add3A_90] : memref<4x262144xi32, #tpu.memory_space<hbm>> -> memref<1x1024xi32, #tpu.memory_space<hbm>>
        %dma_start3A_144 = tpu.memref_squeeze %dma_start3A : memref<1x1024xi32, #tpu.memory_space<hbm>> -> memref<1024xi32, #tpu.memory_space<hbm>>
        %dma_start3A_145 = tpu.memref_slice %arg3[%add3A, %add3A_90] : memref<4x262144xi32, #tpu.memory_space<hbm>> -> memref<1x1024xi32, #tpu.memory_space<hbm>>
        %dma_start3A_146 = tpu.memref_squeeze %dma_start3A_145 : memref<1x1024xi32, #tpu.memory_space<hbm>> -> memref<1024xi32, #tpu.memory_space<hbm>>
        tpu.enqueue_dma source(%dma_start3A_146 : memref<1024xi32, #tpu.memory_space<hbm>>) target(%arg7 : memref<1024xi32, #tpu.memory_space<vmem>>) target_semaphore(%run_scoped3A : memref<!tpu.dma_semaphore, #tpu.memory_space<semaphore_mem>>)
        %dma_wait3A = tpu.memref_slice %arg3[%add3A, %add3A_90] : memref<4x262144xi32, #tpu.memory_space<hbm>> -> memref<1x1024xi32, #tpu.memory_space<hbm>>
        %dma_wait3A_147 = tpu.memref_squeeze %dma_wait3A : memref<1x1024xi32, #tpu.memory_space<hbm>> -> memref<1024xi32, #tpu.memory_space<hbm>>
        %dma_wait3A_148 = tpu.memref_slice %arg3[%add3A, %add3A_90] : memref<4x262144xi32, #tpu.memory_space<hbm>> -> memref<1x1024xi32, #tpu.memory_space<hbm>>
        %dma_wait3A_149 = tpu.memref_squeeze %dma_wait3A_148 : memref<1x1024xi32, #tpu.memory_space<hbm>> -> memref<1024xi32, #tpu.memory_space<hbm>>
        tpu.wait_dma2 semaphore(%run_scoped3A : memref<!tpu.dma_semaphore, #tpu.memory_space<semaphore_mem>>) src(%dma_wait3A_149 : memref<1024xi32, #tpu.memory_space<hbm>>) dst(%arg7 : memref<1024xi32, #tpu.memory_space<vmem>>)
        tpu.yield
      }) : () -> ()
      "tpu.region"() ({
        %run_scoped3A = tpu.sem_alloc : memref<!tpu.dma_semaphore, #tpu.memory_space<semaphore_mem>>
        %dma_start3A = tpu.memref_slice %arg4[%add3A, %add3A_90] : memref<4x262144xi32, #tpu.memory_space<hbm>> -> memref<1x1024xi32, #tpu.memory_space<hbm>>
        %dma_start3A_144 = tpu.memref_squeeze %dma_start3A : memref<1x1024xi32, #tpu.memory_space<hbm>> -> memref<1024xi32, #tpu.memory_space<hbm>>
        %dma_start3A_145 = tpu.memref_slice %arg4[%add3A, %add3A_90] : memref<4x262144xi32, #tpu.memory_space<hbm>> -> memref<1x1024xi32, #tpu.memory_space<hbm>>
        %dma_start3A_146 = tpu.memref_squeeze %dma_start3A_145 : memref<1x1024xi32, #tpu.memory_space<hbm>> -> memref<1024xi32, #tpu.memory_space<hbm>>
        tpu.enqueue_dma source(%dma_start3A_146 : memref<1024xi32, #tpu.memory_space<hbm>>) target(%arg8 : memref<1024xi32, #tpu.memory_space<vmem>>) target_semaphore(%run_scoped3A : memref<!tpu.dma_semaphore, #tpu.memory_space<semaphore_mem>>)
        %dma_wait3A = tpu.memref_slice %arg4[%add3A, %add3A_90] : memref<4x262144xi32, #tpu.memory_space<hbm>> -> memref<1x1024xi32, #tpu.memory_space<hbm>>
        %dma_wait3A_147 = tpu.memref_squeeze %dma_wait3A : memref<1x1024xi32, #tpu.memory_space<hbm>> -> memref<1024xi32, #tpu.memory_space<hbm>>
        %dma_wait3A_148 = tpu.memref_slice %arg4[%add3A, %add3A_90] : memref<4x262144xi32, #tpu.memory_space<hbm>> -> memref<1x1024xi32, #tpu.memory_space<hbm>>
        %dma_wait3A_149 = tpu.memref_squeeze %dma_wait3A_148 : memref<1x1024xi32, #tpu.memory_space<hbm>> -> memref<1024xi32, #tpu.memory_space<hbm>>
        tpu.wait_dma2 semaphore(%run_scoped3A : memref<!tpu.dma_semaphore, #tpu.memory_space<semaphore_mem>>) src(%dma_wait3A_149 : memref<1024xi32, #tpu.memory_space<hbm>>) dst(%arg8 : memref<1024xi32, #tpu.memory_space<vmem>>)
        tpu.yield
      }) : () -> ()
      %broadcast_in_dim3A_91 = arith.constant 0 : i32
      %broadcast_in_dim3A_92 = vector.broadcast %broadcast_in_dim3A_91 : i32 to vector<16xi32>
      %scan3A_93 = arith.constant 0 : i32
      %scan3A_94 = arith.constant 0 : i32
      %scan3A_95 = arith.addi %scan3A_93, %scan3A_94 : i32
      %scan3A_96 = arith.constant 0 : i32
      %reduce_max3A = arith.constant true
      %reduce_max3A_97 = vector.broadcast %reduce_max3A : i1 to vector<16xi1>
      %reduce_max3A_98 = arith.constant -2147483648 : i32
      %reduce_max3A_99 = vector.broadcast %reduce_max3A_98 : i32 to vector<16xi32>
      %reduce_max3A_100 = arith.xori %broadcast_in_dim3A_92, %reduce_max3A_99 : vector<16xi32>
      %reduce_max3A_101 = tpu.scan <max>, %reduce_max3A_100 masked %reduce_max3A_97 : vector<16xi32>, vector<16xi1> -> vector<16xi32>
      %reduce_max3A_102 = arith.xori %reduce_max3A_101, %reduce_max3A_99 : vector<16xi32>
      %reduce_max3A_103 = vector.extract %reduce_max3A_102[15] : i32 from vector<16xi32>
      %add3A_104 = arith.addi %broadcast_in_dim3A_92, %iota3A : vector<16xi32>
      %broadcast_in_dim3A_105 = arith.constant 41943040 : i32
      %broadcast_in_dim3A_106 = vector.broadcast %broadcast_in_dim3A_105 : i32 to vector<16xi32>
      tpu.vector_store_idx %arg9[%add3A_104], %broadcast_in_dim3A_106 : memref<1040xi32, #tpu.memory_space<vmem>>[vector<16xi32>], vector<16xi32>,
      %add3A_107 = arith.constant 7 : i32
      %add3A_108 = arith.addi %reduce_max3A_103, %add3A_107 : i32
      %jit3A_109 = arith.constant 8 : i32
      %div3A_110 = arith.divsi %add3A_108, %jit3A_109 : i32
      %sign3A_111 = arith.constant 0 : i32
      %sign3A_112 = arith.cmpi sgt, %add3A_108, %sign3A_111 : i32
      %sign3A_113 = arith.extui %sign3A_112 : i1 to i32
      %sign3A_114 = arith.constant 0 : i32
      %sign3A_115 = arith.cmpi slt, %add3A_108, %sign3A_114 : i32
      %sign3A_116 = arith.extui %sign3A_115 : i1 to i32
      %sign3A_117 = arith.subi %sign3A_113, %sign3A_116 : i32
      %sign3A_118 = arith.constant 0 : i32
      %sign3A_119 = arith.cmpi sgt, %jit3A_109, %sign3A_118 : i32
      %sign3A_120 = arith.extui %sign3A_119 : i1 to i32
      %sign3A_121 = arith.constant 0 : i32
      %sign3A_122 = arith.cmpi slt, %jit3A_109, %sign3A_121 : i32
      %sign3A_123 = arith.extui %sign3A_122 : i1 to i32
      %sign3A_124 = arith.subi %sign3A_120, %sign3A_123 : i32
      %ne3A_125 = arith.cmpi ne, %sign3A_117, %sign3A_124 : i32
      %rem3A_126 = arith.remsi %add3A_108, %jit3A_109 : i32
      %ne3A_127 = arith.constant 0 : i32
      %ne3A_128 = arith.cmpi ne, %rem3A_126, %ne3A_127 : i32
      %and3A_129 = arith.andi %ne3A_125, %ne3A_128 : i1
      %sub3A_130 = arith.constant 1 : i32
      %sub3A_131 = arith.subi %div3A_110, %sub3A_130 : i32
      %select_n3A_132 = arith.select %and3A_129, %sub3A_131, %div3A_110 : i32
      %mul3A_133 = arith.constant 0 : i32
      %mul3A_134 = arith.muli %select_n3A_132, %mul3A_133 : i32
      %while3A = arith.constant 0 : i32
      %while3A_135 = arith.constant 0 : i32
      %while3A_136 = arith.subi %mul3A_134, %while3A_135 : i32
      %while3A_137 = arith.addi %while3A_135, %while3A_136 : i32
      %while3A_138 = arith.constant 1 : i32
      %while3A_139 = arith.divsi %while3A_136, %while3A_138 : i32
      %while3A_140 = arith.muli %while3A_139, %while3A_138 : i32
      %while3A_141 = arith.addi %while3A_135, %while3A_140 : i32
      %while3A_142 = arith.constant 1 : i32
      scf.for %while3A_144 = %while3A_135 to %while3A_141 step %while3A_142  : i32 {
        %mul3A_145 = arith.constant 8 : i32
        %mul3A_146 = arith.muli %while3A_144, %mul3A_145 : i32
        %add3A_147 = arith.constant 0 : i32
        %add3A_148 = arith.addi %mul3A_146, %add3A_147 : i32
        %broadcast_in_dim3A_149 = vector.broadcast %add3A_148 : i32 to vector<16xi32>
        %gather3A = tpu.vector_load_idx %arg9[%broadcast_in_dim3A_149] : memref<1040xi32, #tpu.memory_space<vmem>>[vector<16xi32>], vector<16xi32>,
        %shift_right_logical3A = arith.constant 10 : i32
        %shift_right_logical3A_150 = vector.broadcast %shift_right_logical3A : i32 to vector<16xi32>
        %shift_right_logical3A_151 = arith.shrui %gather3A, %shift_right_logical3A_150 : vector<16xi32>
        %and3A_152 = arith.constant 1023 : i32
        %and3A_153 = vector.broadcast %and3A_152 : i32 to vector<16xi32>
        %and3A_154 = arith.andi %gather3A, %and3A_153 : vector<16xi32>
        %gather3A_155 = tpu.vector_load_idx %arg6[%iota3A, %and3A_154] : memref<19x1024xf32, #tpu.memory_space<vmem>>[vector<16xi32>, vector<16xi32>], vector<16xf32>,
        %add3A_156 = arith.addi %iota3A, %shift_right_logical3A_151 : vector<16xi32>
        %gather3A_157 = tpu.vector_load_idx %arg10[%add3A_156] : memref<40992xf32, #tpu.memory_space<vmem>>[vector<16xi32>], vector<16xf32>,
        %max3A = arith.maximumf %gather3A_157, %gather3A_155 : vector<16xf32>
        tpu.vector_store_idx %arg10[%add3A_156], %max3A : memref<40992xf32, #tpu.memory_space<vmem>>[vector<16xi32>], vector<16xf32>,
        %gather3A_158 = tpu.vector_load_idx %arg6[%min3A_70, %and3A_154] masked %lt3A_65 : memref<19x1024xf32, #tpu.memory_space<vmem>>[vector<16xi32>, vector<16xi32>], vector<16xf32>, vector<16xi1>
        %add3A_159 = arith.addi %min3A_70, %shift_right_logical3A_151 : vector<16xi32>
        %gather3A_160 = tpu.vector_load_idx %arg10[%add3A_159] masked %lt3A_65 : memref<40992xf32, #tpu.memory_space<vmem>>[vector<16xi32>], vector<16xf32>, vector<16xi1>
        %max3A_161 = arith.maximumf %gather3A_160, %gather3A_158 : vector<16xf32>
        tpu.vector_store_idx %arg10[%add3A_159], %max3A_161 masked %lt3A_65 : memref<40992xf32, #tpu.memory_space<vmem>>[vector<16xi32>], vector<16xf32>, vector<16xi1>
        %add3A_162 = arith.constant 1 : i32
        %add3A_163 = arith.addi %mul3A_146, %add3A_162 : i32
        %broadcast_in_dim3A_164 = vector.broadcast %add3A_163 : i32 to vector<16xi32>
        %gather3A_165 = tpu.vector_load_idx %arg9[%broadcast_in_dim3A_164] : memref<1040xi32, #tpu.memory_space<vmem>>[vector<16xi32>], vector<16xi32>,
        %shift_right_logical3A_166 = arith.constant 10 : i32
        %shift_right_logical3A_167 = vector.broadcast %shift_right_logical3A_166 : i32 to vector<16xi32>
        %shift_right_logical3A_168 = arith.shrui %gather3A_165, %shift_right_logical3A_167 : vector<16xi32>
        %and3A_169 = arith.constant 1023 : i32
        %and3A_170 = vector.broadcast %and3A_169 : i32 to vector<16xi32>
        %and3A_171 = arith.andi %gather3A_165, %and3A_170 : vector<16xi32>
        %gather3A_172 = tpu.vector_load_idx %arg6[%iota3A, %and3A_171] : memref<19x1024xf32, #tpu.memory_space<vmem>>[vector<16xi32>, vector<16xi32>], vector<16xf32>,
        %add3A_173 = arith.addi %iota3A, %shift_right_logical3A_168 : vector<16xi32>
        %gather3A_174 = tpu.vector_load_idx %arg10[%add3A_173] : memref<40992xf32, #tpu.memory_space<vmem>>[vector<16xi32>], vector<16xf32>,
        %max3A_175 = arith.maximumf %gather3A_174, %gather3A_172 : vector<16xf32>
        tpu.vector_store_idx %arg10[%add3A_173], %max3A_175 : memref<40992xf32, #tpu.memory_space<vmem>>[vector<16xi32>], vector<16xf32>,
        %gather3A_176 = tpu.vector_load_idx %arg6[%min3A_70, %and3A_171] masked %lt3A_65 : memref<19x1024xf32, #tpu.memory_space<vmem>>[vector<16xi32>, vector<16xi32>], vector<16xf32>, vector<16xi1>
        %add3A_177 = arith.addi %min3A_70, %shift_right_logical3A_168 : vector<16xi32>
        %gather3A_178 = tpu.vector_load_idx %arg10[%add3A_177] masked %lt3A_65 : memref<40992xf32, #tpu.memory_space<vmem>>[vector<16xi32>], vector<16xf32>, vector<16xi1>
        %max3A_179 = arith.maximumf %gather3A_178, %gather3A_176 : vector<16xf32>
        tpu.vector_store_idx %arg10[%add3A_177], %max3A_179 masked %lt3A_65 : memref<40992xf32, #tpu.memory_space<vmem>>[vector<16xi32>], vector<16xf32>, vector<16xi1>
        %add3A_180 = arith.constant 2 : i32
        %add3A_181 = arith.addi %mul3A_146, %add3A_180 : i32
        %broadcast_in_dim3A_182 = vector.broadcast %add3A_181 : i32 to vector<16xi32>
        %gather3A_183 = tpu.vector_load_idx %arg9[%broadcast_in_dim3A_182] : memref<1040xi32, #tpu.memory_space<vmem>>[vector<16xi32>], vector<16xi32>,
        %shift_right_logical3A_184 = arith.constant 10 : i32
        %shift_right_logical3A_185 = vector.broadcast %shift_right_logical3A_184 : i32 to vector<16xi32>
        %shift_right_logical3A_186 = arith.shrui %gather3A_183, %shift_right_logical3A_185 : vector<16xi32>
        %and3A_187 = arith.constant 1023 : i32
        %and3A_188 = vector.broadcast %and3A_187 : i32 to vector<16xi32>
        %and3A_189 = arith.andi %gather3A_183, %and3A_188 : vector<16xi32>
        %gather3A_190 = tpu.vector_load_idx %arg6[%iota3A, %and3A_189] : memref<19x1024xf32, #tpu.memory_space<vmem>>[vector<16xi32>, vector<16xi32>], vector<16xf32>,
        %add3A_191 = arith.addi %iota3A, %shift_right_logical3A_186 : vector<16xi32>
        %gather3A_192 = tpu.vector_load_idx %arg10[%add3A_191] : memref<40992xf32, #tpu.memory_space<vmem>>[vector<16xi32>], vector<16xf32>,
        %max3A_193 = arith.maximumf %gather3A_192, %gather3A_190 : vector<16xf32>
        tpu.vector_store_idx %arg10[%add3A_191], %max3A_193 : memref<40992xf32, #tpu.memory_space<vmem>>[vector<16xi32>], vector<16xf32>,
        %gather3A_194 = tpu.vector_load_idx %arg6[%min3A_70, %and3A_189] masked %lt3A_65 : memref<19x1024xf32, #tpu.memory_space<vmem>>[vector<16xi32>, vector<16xi32>], vector<16xf32>, vector<16xi1>
        %add3A_195 = arith.addi %min3A_70, %shift_right_logical3A_186 : vector<16xi32>
        %gather3A_196 = tpu.vector_load_idx %arg10[%add3A_195] masked %lt3A_65 : memref<40992xf32, #tpu.memory_space<vmem>>[vector<16xi32>], vector<16xf32>, vector<16xi1>
        %max3A_197 = arith.maximumf %gather3A_196, %gather3A_194 : vector<16xf32>
        tpu.vector_store_idx %arg10[%add3A_195], %max3A_197 masked %lt3A_65 : memref<40992xf32, #tpu.memory_space<vmem>>[vector<16xi32>], vector<16xf32>, vector<16xi1>
        %add3A_198 = arith.constant 3 : i32
        %add3A_199 = arith.addi %mul3A_146, %add3A_198 : i32
        %broadcast_in_dim3A_200 = vector.broadcast %add3A_199 : i32 to vector<16xi32>
        %gather3A_201 = tpu.vector_load_idx %arg9[%broadcast_in_dim3A_200] : memref<1040xi32, #tpu.memory_space<vmem>>[vector<16xi32>], vector<16xi32>,
        %shift_right_logical3A_202 = arith.constant 10 : i32
        %shift_right_logical3A_203 = vector.broadcast %shift_right_logical3A_202 : i32 to vector<16xi32>
        %shift_right_logical3A_204 = arith.shrui %gather3A_201, %shift_right_logical3A_203 : vector<16xi32>
        %and3A_205 = arith.constant 1023 : i32
        %and3A_206 = vector.broadcast %and3A_205 : i32 to vector<16xi32>
        %and3A_207 = arith.andi %gather3A_201, %and3A_206 : vector<16xi32>
        %gather3A_208 = tpu.vector_load_idx %arg6[%iota3A, %and3A_207] : memref<19x1024xf32, #tpu.memory_space<vmem>>[vector<16xi32>, vector<16xi32>], vector<16xf32>,
        %add3A_209 = arith.addi %iota3A, %shift_right_logical3A_204 : vector<16xi32>
        %gather3A_210 = tpu.vector_load_idx %arg10[%add3A_209] : memref<40992xf32, #tpu.memory_space<vmem>>[vector<16xi32>], vector<16xf32>,
        %max3A_211 = arith.maximumf %gather3A_210, %gather3A_208 : vector<16xf32>
        tpu.vector_store_idx %arg10[%add3A_209], %max3A_211 : memref<40992xf32, #tpu.memory_space<vmem>>[vector<16xi32>], vector<16xf32>,
        %gather3A_212 = tpu.vector_load_idx %arg6[%min3A_70, %and3A_207] masked %lt3A_65 : memref<19x1024xf32, #tpu.memory_space<vmem>>[vector<16xi32>, vector<16xi32>], vector<16xf32>, vector<16xi1>
        %add3A_213 = arith.addi %min3A_70, %shift_right_logical3A_204 : vector<16xi32>
        %gather3A_214 = tpu.vector_load_idx %arg10[%add3A_213] masked %lt3A_65 : memref<40992xf32, #tpu.memory_space<vmem>>[vector<16xi32>], vector<16xf32>, vector<16xi1>
        %max3A_215 = arith.maximumf %gather3A_214, %gather3A_212 : vector<16xf32>
        tpu.vector_store_idx %arg10[%add3A_213], %max3A_215 masked %lt3A_65 : memref<40992xf32, #tpu.memory_space<vmem>>[vector<16xi32>], vector<16xf32>, vector<16xi1>
        %add3A_216 = arith.constant 4 : i32
        %add3A_217 = arith.addi %mul3A_146, %add3A_216 : i32
        %broadcast_in_dim3A_218 = vector.broadcast %add3A_217 : i32 to vector<16xi32>
        %gather3A_219 = tpu.vector_load_idx %arg9[%broadcast_in_dim3A_218] : memref<1040xi32, #tpu.memory_space<vmem>>[vector<16xi32>], vector<16xi32>,
        %shift_right_logical3A_220 = arith.constant 10 : i32
        %shift_right_logical3A_221 = vector.broadcast %shift_right_logical3A_220 : i32 to vector<16xi32>
        %shift_right_logical3A_222 = arith.shrui %gather3A_219, %shift_right_logical3A_221 : vector<16xi32>
        %and3A_223 = arith.constant 1023 : i32
        %and3A_224 = vector.broadcast %and3A_223 : i32 to vector<16xi32>
        %and3A_225 = arith.andi %gather3A_219, %and3A_224 : vector<16xi32>
        %gather3A_226 = tpu.vector_load_idx %arg6[%iota3A, %and3A_225] : memref<19x1024xf32, #tpu.memory_space<vmem>>[vector<16xi32>, vector<16xi32>], vector<16xf32>,
        %add3A_227 = arith.addi %iota3A, %shift_right_logical3A_222 : vector<16xi32>
        %gather3A_228 = tpu.vector_load_idx %arg10[%add3A_227] : memref<40992xf32, #tpu.memory_space<vmem>>[vector<16xi32>], vector<16xf32>,
        %max3A_229 = arith.maximumf %gather3A_228, %gather3A_226 : vector<16xf32>
        tpu.vector_store_idx %arg10[%add3A_227], %max3A_229 : memref<40992xf32, #tpu.memory_space<vmem>>[vector<16xi32>], vector<16xf32>,
        %gather3A_230 = tpu.vector_load_idx %arg6[%min3A_70, %and3A_225] masked %lt3A_65 : memref<19x1024xf32, #tpu.memory_space<vmem>>[vector<16xi32>, vector<16xi32>], vector<16xf32>, vector<16xi1>
        %add3A_231 = arith.addi %min3A_70, %shift_right_logical3A_222 : vector<16xi32>
        %gather3A_232 = tpu.vector_load_idx %arg10[%add3A_231] masked %lt3A_65 : memref<40992xf32, #tpu.memory_space<vmem>>[vector<16xi32>], vector<16xf32>, vector<16xi1>
        %max3A_233 = arith.maximumf %gather3A_232, %gather3A_230 : vector<16xf32>
        tpu.vector_store_idx %arg10[%add3A_231], %max3A_233 masked %lt3A_65 : memref<40992xf32, #tpu.memory_space<vmem>>[vector<16xi32>], vector<16xf32>, vector<16xi1>
        %add3A_234 = arith.constant 5 : i32
        %add3A_235 = arith.addi %mul3A_146, %add3A_234 : i32
        %broadcast_in_dim3A_236 = vector.broadcast %add3A_235 : i32 to vector<16xi32>
        %gather3A_237 = tpu.vector_load_idx %arg9[%broadcast_in_dim3A_236] : memref<1040xi32, #tpu.memory_space<vmem>>[vector<16xi32>], vector<16xi32>,
        %shift_right_logical3A_238 = arith.constant 10 : i32
        %shift_right_logical3A_239 = vector.broadcast %shift_right_logical3A_238 : i32 to vector<16xi32>
        %shift_right_logical3A_240 = arith.shrui %gather3A_237, %shift_right_logical3A_239 : vector<16xi32>
        %and3A_241 = arith.constant 1023 : i32
        %and3A_242 = vector.broadcast %and3A_241 : i32 to vector<16xi32>
        %and3A_243 = arith.andi %gather3A_237, %and3A_242 : vector<16xi32>
        %gather3A_244 = tpu.vector_load_idx %arg6[%iota3A, %and3A_243] : memref<19x1024xf32, #tpu.memory_space<vmem>>[vector<16xi32>, vector<16xi32>], vector<16xf32>,
        %add3A_245 = arith.addi %iota3A, %shift_right_logical3A_240 : vector<16xi32>
        %gather3A_246 = tpu.vector_load_idx %arg10[%add3A_245] : memref<40992xf32, #tpu.memory_space<vmem>>[vector<16xi32>], vector<16xf32>,
        %max3A_247 = arith.maximumf %gather3A_246, %gather3A_244 : vector<16xf32>
        tpu.vector_store_idx %arg10[%add3A_245], %max3A_247 : memref<40992xf32, #tpu.memory_space<vmem>>[vector<16xi32>], vector<16xf32>,
        %gather3A_248 = tpu.vector_load_idx %arg6[%min3A_70, %and3A_243] masked %lt3A_65 : memref<19x1024xf32, #tpu.memory_space<vmem>>[vector<16xi32>, vector<16xi32>], vector<16xf32>, vector<16xi1>
        %add3A_249 = arith.addi %min3A_70, %shift_right_logical3A_240 : vector<16xi32>
        %gather3A_250 = tpu.vector_load_idx %arg10[%add3A_249] masked %lt3A_65 : memref<40992xf32, #tpu.memory_space<vmem>>[vector<16xi32>], vector<16xf32>, vector<16xi1>
        %max3A_251 = arith.maximumf %gather3A_250, %gather3A_248 : vector<16xf32>
        tpu.vector_store_idx %arg10[%add3A_249], %max3A_251 masked %lt3A_65 : memref<40992xf32, #tpu.memory_space<vmem>>[vector<16xi32>], vector<16xf32>, vector<16xi1>
        %add3A_252 = arith.constant 6 : i32
        %add3A_253 = arith.addi %mul3A_146, %add3A_252 : i32
        %broadcast_in_dim3A_254 = vector.broadcast %add3A_253 : i32 to vector<16xi32>
        %gather3A_255 = tpu.vector_load_idx %arg9[%broadcast_in_dim3A_254] : memref<1040xi32, #tpu.memory_space<vmem>>[vector<16xi32>], vector<16xi32>,
        %shift_right_logical3A_256 = arith.constant 10 : i32
        %shift_right_logical3A_257 = vector.broadcast %shift_right_logical3A_256 : i32 to vector<16xi32>
        %shift_right_logical3A_258 = arith.shrui %gather3A_255, %shift_right_logical3A_257 : vector<16xi32>
        %and3A_259 = arith.constant 1023 : i32
        %and3A_260 = vector.broadcast %and3A_259 : i32 to vector<16xi32>
        %and3A_261 = arith.andi %gather3A_255, %and3A_260 : vector<16xi32>
        %gather3A_262 = tpu.vector_load_idx %arg6[%iota3A, %and3A_261] : memref<19x1024xf32, #tpu.memory_space<vmem>>[vector<16xi32>, vector<16xi32>], vector<16xf32>,
        %add3A_263 = arith.addi %iota3A, %shift_right_logical3A_258 : vector<16xi32>
        %gather3A_264 = tpu.vector_load_idx %arg10[%add3A_263] : memref<40992xf32, #tpu.memory_space<vmem>>[vector<16xi32>], vector<16xf32>,
        %max3A_265 = arith.maximumf %gather3A_264, %gather3A_262 : vector<16xf32>
        tpu.vector_store_idx %arg10[%add3A_263], %max3A_265 : memref<40992xf32, #tpu.memory_space<vmem>>[vector<16xi32>], vector<16xf32>,
        %gather3A_266 = tpu.vector_load_idx %arg6[%min3A_70, %and3A_261] masked %lt3A_65 : memref<19x1024xf32, #tpu.memory_space<vmem>>[vector<16xi32>, vector<16xi32>], vector<16xf32>, vector<16xi1>
        %add3A_267 = arith.addi %min3A_70, %shift_right_logical3A_258 : vector<16xi32>
        %gather3A_268 = tpu.vector_load_idx %arg10[%add3A_267] masked %lt3A_65 : memref<40992xf32, #tpu.memory_space<vmem>>[vector<16xi32>], vector<16xf32>, vector<16xi1>
        %max3A_269 = arith.maximumf %gather3A_268, %gather3A_266 : vector<16xf32>
        tpu.vector_store_idx %arg10[%add3A_267], %max3A_269 masked %lt3A_65 : memref<40992xf32, #tpu.memory_space<vmem>>[vector<16xi32>], vector<16xf32>, vector<16xi1>
        %add3A_270 = arith.constant 7 : i32
        %add3A_271 = arith.addi %mul3A_146, %add3A_270 : i32
        %broadcast_in_dim3A_272 = vector.broadcast %add3A_271 : i32 to vector<16xi32>
        %gather3A_273 = tpu.vector_load_idx %arg9[%broadcast_in_dim3A_272] : memref<1040xi32, #tpu.memory_space<vmem>>[vector<16xi32>], vector<16xi32>,
        %shift_right_logical3A_274 = arith.constant 10 : i32
        %shift_right_logical3A_275 = vector.broadcast %shift_right_logical3A_274 : i32 to vector<16xi32>
        %shift_right_logical3A_276 = arith.shrui %gather3A_273, %shift_right_logical3A_275 : vector<16xi32>
        %and3A_277 = arith.constant 1023 : i32
        %and3A_278 = vector.broadcast %and3A_277 : i32 to vector<16xi32>
        %and3A_279 = arith.andi %gather3A_273, %and3A_278 : vector<16xi32>
        %gather3A_280 = tpu.vector_load_idx %arg6[%iota3A, %and3A_279] : memref<19x1024xf32, #tpu.memory_space<vmem>>[vector<16xi32>, vector<16xi32>], vector<16xf32>,
        %add3A_281 = arith.addi %iota3A, %shift_right_logical3A_276 : vector<16xi32>
        %gather3A_282 = tpu.vector_load_idx %arg10[%add3A_281] : memref<40992xf32, #tpu.memory_space<vmem>>[vector<16xi32>], vector<16xf32>,
        %max3A_283 = arith.maximumf %gather3A_282, %gather3A_280 : vector<16xf32>
        tpu.vector_store_idx %arg10[%add3A_281], %max3A_283 : memref<40992xf32, #tpu.memory_space<vmem>>[vector<16xi32>], vector<16xf32>,
        %gather3A_284 = tpu.vector_load_idx %arg6[%min3A_70, %and3A_279] masked %lt3A_65 : memref<19x1024xf32, #tpu.memory_space<vmem>>[vector<16xi32>, vector<16xi32>], vector<16xf32>, vector<16xi1>
        %add3A_285 = arith.addi %min3A_70, %shift_right_logical3A_276 : vector<16xi32>
        %gather3A_286 = tpu.vector_load_idx %arg10[%add3A_285] masked %lt3A_65 : memref<40992xf32, #tpu.memory_space<vmem>>[vector<16xi32>], vector<16xf32>, vector<16xi1>
        %max3A_287 = arith.maximumf %gather3A_286, %gather3A_284 : vector<16xf32>
        tpu.vector_store_idx %arg10[%add3A_285], %max3A_287 masked %lt3A_65 : memref<40992xf32, #tpu.memory_space<vmem>>[vector<16xi32>], vector<16xf32>, vector<16xi1>
      }
      %while3A_143 = arith.constant 1 : i32
      scf.for %while3A_144 = %while3A_141 to %while3A_137 step %while3A_143  : i32 {
        %mul3A_145 = arith.constant 8 : i32
        %mul3A_146 = arith.muli %while3A_144, %mul3A_145 : i32
        %add3A_147 = arith.constant 0 : i32
        %add3A_148 = arith.addi %mul3A_146, %add3A_147 : i32
        %broadcast_in_dim3A_149 = vector.broadcast %add3A_148 : i32 to vector<16xi32>
        %gather3A = tpu.vector_load_idx %arg9[%broadcast_in_dim3A_149] : memref<1040xi32, #tpu.memory_space<vmem>>[vector<16xi32>], vector<16xi32>,
        %shift_right_logical3A = arith.constant 10 : i32
        %shift_right_logical3A_150 = vector.broadcast %shift_right_logical3A : i32 to vector<16xi32>
        %shift_right_logical3A_151 = arith.shrui %gather3A, %shift_right_logical3A_150 : vector<16xi32>
        %and3A_152 = arith.constant 1023 : i32
        %and3A_153 = vector.broadcast %and3A_152 : i32 to vector<16xi32>
        %and3A_154 = arith.andi %gather3A, %and3A_153 : vector<16xi32>
        %gather3A_155 = tpu.vector_load_idx %arg6[%iota3A, %and3A_154] : memref<19x1024xf32, #tpu.memory_space<vmem>>[vector<16xi32>, vector<16xi32>], vector<16xf32>,
        %add3A_156 = arith.addi %iota3A, %shift_right_logical3A_151 : vector<16xi32>
        %gather3A_157 = tpu.vector_load_idx %arg10[%add3A_156] : memref<40992xf32, #tpu.memory_space<vmem>>[vector<16xi32>], vector<16xf32>,
        %max3A = arith.maximumf %gather3A_157, %gather3A_155 : vector<16xf32>
        tpu.vector_store_idx %arg10[%add3A_156], %max3A : memref<40992xf32, #tpu.memory_space<vmem>>[vector<16xi32>], vector<16xf32>,
        %gather3A_158 = tpu.vector_load_idx %arg6[%min3A_70, %and3A_154] masked %lt3A_65 : memref<19x1024xf32, #tpu.memory_space<vmem>>[vector<16xi32>, vector<16xi32>], vector<16xf32>, vector<16xi1>
        %add3A_159 = arith.addi %min3A_70, %shift_right_logical3A_151 : vector<16xi32>
        %gather3A_160 = tpu.vector_load_idx %arg10[%add3A_159] masked %lt3A_65 : memref<40992xf32, #tpu.memory_space<vmem>>[vector<16xi32>], vector<16xf32>, vector<16xi1>
        %max3A_161 = arith.maximumf %gather3A_160, %gather3A_158 : vector<16xf32>
        tpu.vector_store_idx %arg10[%add3A_159], %max3A_161 masked %lt3A_65 : memref<40992xf32, #tpu.memory_space<vmem>>[vector<16xi32>], vector<16xf32>, vector<16xi1>
        %add3A_162 = arith.constant 1 : i32
        %add3A_163 = arith.addi %mul3A_146, %add3A_162 : i32
        %broadcast_in_dim3A_164 = vector.broadcast %add3A_163 : i32 to vector<16xi32>
        %gather3A_165 = tpu.vector_load_idx %arg9[%broadcast_in_dim3A_164] : memref<1040xi32, #tpu.memory_space<vmem>>[vector<16xi32>], vector<16xi32>,
        %shift_right_logical3A_166 = arith.constant 10 : i32
        %shift_right_logical3A_167 = vector.broadcast %shift_right_logical3A_166 : i32 to vector<16xi32>
        %shift_right_logical3A_168 = arith.shrui %gather3A_165, %shift_right_logical3A_167 : vector<16xi32>
        %and3A_169 = arith.constant 1023 : i32
        %and3A_170 = vector.broadcast %and3A_169 : i32 to vector<16xi32>
        %and3A_171 = arith.andi %gather3A_165, %and3A_170 : vector<16xi32>
        %gather3A_172 = tpu.vector_load_idx %arg6[%iota3A, %and3A_171] : memref<19x1024xf32, #tpu.memory_space<vmem>>[vector<16xi32>, vector<16xi32>], vector<16xf32>,
        %add3A_173 = arith.addi %iota3A, %shift_right_logical3A_168 : vector<16xi32>
        %gather3A_174 = tpu.vector_load_idx %arg10[%add3A_173] : memref<40992xf32, #tpu.memory_space<vmem>>[vector<16xi32>], vector<16xf32>,
        %max3A_175 = arith.maximumf %gather3A_174, %gather3A_172 : vector<16xf32>
        tpu.vector_store_idx %arg10[%add3A_173], %max3A_175 : memref<40992xf32, #tpu.memory_space<vmem>>[vector<16xi32>], vector<16xf32>,
        %gather3A_176 = tpu.vector_load_idx %arg6[%min3A_70, %and3A_171] masked %lt3A_65 : memref<19x1024xf32, #tpu.memory_space<vmem>>[vector<16xi32>, vector<16xi32>], vector<16xf32>, vector<16xi1>
        %add3A_177 = arith.addi %min3A_70, %shift_right_logical3A_168 : vector<16xi32>
        %gather3A_178 = tpu.vector_load_idx %arg10[%add3A_177] masked %lt3A_65 : memref<40992xf32, #tpu.memory_space<vmem>>[vector<16xi32>], vector<16xf32>, vector<16xi1>
        %max3A_179 = arith.maximumf %gather3A_178, %gather3A_176 : vector<16xf32>
        tpu.vector_store_idx %arg10[%add3A_177], %max3A_179 masked %lt3A_65 : memref<40992xf32, #tpu.memory_space<vmem>>[vector<16xi32>], vector<16xf32>, vector<16xi1>
        %add3A_180 = arith.constant 2 : i32
        %add3A_181 = arith.addi %mul3A_146, %add3A_180 : i32
        %broadcast_in_dim3A_182 = vector.broadcast %add3A_181 : i32 to vector<16xi32>
        %gather3A_183 = tpu.vector_load_idx %arg9[%broadcast_in_dim3A_182] : memref<1040xi32, #tpu.memory_space<vmem>>[vector<16xi32>], vector<16xi32>,
        %shift_right_logical3A_184 = arith.constant 10 : i32
        %shift_right_logical3A_185 = vector.broadcast %shift_right_logical3A_184 : i32 to vector<16xi32>
        %shift_right_logical3A_186 = arith.shrui %gather3A_183, %shift_right_logical3A_185 : vector<16xi32>
        %and3A_187 = arith.constant 1023 : i32
        %and3A_188 = vector.broadcast %and3A_187 : i32 to vector<16xi32>
        %and3A_189 = arith.andi %gather3A_183, %and3A_188 : vector<16xi32>
        %gather3A_190 = tpu.vector_load_idx %arg6[%iota3A, %and3A_189] : memref<19x1024xf32, #tpu.memory_space<vmem>>[vector<16xi32>, vector<16xi32>], vector<16xf32>,
        %add3A_191 = arith.addi %iota3A, %shift_right_logical3A_186 : vector<16xi32>
        %gather3A_192 = tpu.vector_load_idx %arg10[%add3A_191] : memref<40992xf32, #tpu.memory_space<vmem>>[vector<16xi32>], vector<16xf32>,
        %max3A_193 = arith.maximumf %gather3A_192, %gather3A_190 : vector<16xf32>
        tpu.vector_store_idx %arg10[%add3A_191], %max3A_193 : memref<40992xf32, #tpu.memory_space<vmem>>[vector<16xi32>], vector<16xf32>,
        %gather3A_194 = tpu.vector_load_idx %arg6[%min3A_70, %and3A_189] masked %lt3A_65 : memref<19x1024xf32, #tpu.memory_space<vmem>>[vector<16xi32>, vector<16xi32>], vector<16xf32>, vector<16xi1>
        %add3A_195 = arith.addi %min3A_70, %shift_right_logical3A_186 : vector<16xi32>
        %gather3A_196 = tpu.vector_load_idx %arg10[%add3A_195] masked %lt3A_65 : memref<40992xf32, #tpu.memory_space<vmem>>[vector<16xi32>], vector<16xf32>, vector<16xi1>
        %max3A_197 = arith.maximumf %gather3A_196, %gather3A_194 : vector<16xf32>
        tpu.vector_store_idx %arg10[%add3A_195], %max3A_197 masked %lt3A_65 : memref<40992xf32, #tpu.memory_space<vmem>>[vector<16xi32>], vector<16xf32>, vector<16xi1>
        %add3A_198 = arith.constant 3 : i32
        %add3A_199 = arith.addi %mul3A_146, %add3A_198 : i32
        %broadcast_in_dim3A_200 = vector.broadcast %add3A_199 : i32 to vector<16xi32>
        %gather3A_201 = tpu.vector_load_idx %arg9[%broadcast_in_dim3A_200] : memref<1040xi32, #tpu.memory_space<vmem>>[vector<16xi32>], vector<16xi32>,
        %shift_right_logical3A_202 = arith.constant 10 : i32
        %shift_right_logical3A_203 = vector.broadcast %shift_right_logical3A_202 : i32 to vector<16xi32>
        %shift_right_logical3A_204 = arith.shrui %gather3A_201, %shift_right_logical3A_203 : vector<16xi32>
        %and3A_205 = arith.constant 1023 : i32
        %and3A_206 = vector.broadcast %and3A_205 : i32 to vector<16xi32>
        %and3A_207 = arith.andi %gather3A_201, %and3A_206 : vector<16xi32>
        %gather3A_208 = tpu.vector_load_idx %arg6[%iota3A, %and3A_207] : memref<19x1024xf32, #tpu.memory_space<vmem>>[vector<16xi32>, vector<16xi32>], vector<16xf32>,
        %add3A_209 = arith.addi %iota3A, %shift_right_logical3A_204 : vector<16xi32>
        %gather3A_210 = tpu.vector_load_idx %arg10[%add3A_209] : memref<40992xf32, #tpu.memory_space<vmem>>[vector<16xi32>], vector<16xf32>,
        %max3A_211 = arith.maximumf %gather3A_210, %gather3A_208 : vector<16xf32>
        tpu.vector_store_idx %arg10[%add3A_209], %max3A_211 : memref<40992xf32, #tpu.memory_space<vmem>>[vector<16xi32>], vector<16xf32>,
        %gather3A_212 = tpu.vector_load_idx %arg6[%min3A_70, %and3A_207] masked %lt3A_65 : memref<19x1024xf32, #tpu.memory_space<vmem>>[vector<16xi32>, vector<16xi32>], vector<16xf32>, vector<16xi1>
        %add3A_213 = arith.addi %min3A_70, %shift_right_logical3A_204 : vector<16xi32>
        %gather3A_214 = tpu.vector_load_idx %arg10[%add3A_213] masked %lt3A_65 : memref<40992xf32, #tpu.memory_space<vmem>>[vector<16xi32>], vector<16xf32>, vector<16xi1>
        %max3A_215 = arith.maximumf %gather3A_214, %gather3A_212 : vector<16xf32>
        tpu.vector_store_idx %arg10[%add3A_213], %max3A_215 masked %lt3A_65 : memref<40992xf32, #tpu.memory_space<vmem>>[vector<16xi32>], vector<16xf32>, vector<16xi1>
        %add3A_216 = arith.constant 4 : i32
        %add3A_217 = arith.addi %mul3A_146, %add3A_216 : i32
        %broadcast_in_dim3A_218 = vector.broadcast %add3A_217 : i32 to vector<16xi32>
        %gather3A_219 = tpu.vector_load_idx %arg9[%broadcast_in_dim3A_218] : memref<1040xi32, #tpu.memory_space<vmem>>[vector<16xi32>], vector<16xi32>,
        %shift_right_logical3A_220 = arith.constant 10 : i32
        %shift_right_logical3A_221 = vector.broadcast %shift_right_logical3A_220 : i32 to vector<16xi32>
        %shift_right_logical3A_222 = arith.shrui %gather3A_219, %shift_right_logical3A_221 : vector<16xi32>
        %and3A_223 = arith.constant 1023 : i32
        %and3A_224 = vector.broadcast %and3A_223 : i32 to vector<16xi32>
        %and3A_225 = arith.andi %gather3A_219, %and3A_224 : vector<16xi32>
        %gather3A_226 = tpu.vector_load_idx %arg6[%iota3A, %and3A_225] : memref<19x1024xf32, #tpu.memory_space<vmem>>[vector<16xi32>, vector<16xi32>], vector<16xf32>,
        %add3A_227 = arith.addi %iota3A, %shift_right_logical3A_222 : vector<16xi32>
        %gather3A_228 = tpu.vector_load_idx %arg10[%add3A_227] : memref<40992xf32, #tpu.memory_space<vmem>>[vector<16xi32>], vector<16xf32>,
        %max3A_229 = arith.maximumf %gather3A_228, %gather3A_226 : vector<16xf32>
        tpu.vector_store_idx %arg10[%add3A_227], %max3A_229 : memref<40992xf32, #tpu.memory_space<vmem>>[vector<16xi32>], vector<16xf32>,
        %gather3A_230 = tpu.vector_load_idx %arg6[%min3A_70, %and3A_225] masked %lt3A_65 : memref<19x1024xf32, #tpu.memory_space<vmem>>[vector<16xi32>, vector<16xi32>], vector<16xf32>, vector<16xi1>
        %add3A_231 = arith.addi %min3A_70, %shift_right_logical3A_222 : vector<16xi32>
        %gather3A_232 = tpu.vector_load_idx %arg10[%add3A_231] masked %lt3A_65 : memref<40992xf32, #tpu.memory_space<vmem>>[vector<16xi32>], vector<16xf32>, vector<16xi1>
        %max3A_233 = arith.maximumf %gather3A_232, %gather3A_230 : vector<16xf32>
        tpu.vector_store_idx %arg10[%add3A_231], %max3A_233 masked %lt3A_65 : memref<40992xf32, #tpu.memory_space<vmem>>[vector<16xi32>], vector<16xf32>, vector<16xi1>
        %add3A_234 = arith.constant 5 : i32
        %add3A_235 = arith.addi %mul3A_146, %add3A_234 : i32
        %broadcast_in_dim3A_236 = vector.broadcast %add3A_235 : i32 to vector<16xi32>
        %gather3A_237 = tpu.vector_load_idx %arg9[%broadcast_in_dim3A_236] : memref<1040xi32, #tpu.memory_space<vmem>>[vector<16xi32>], vector<16xi32>,
        %shift_right_logical3A_238 = arith.constant 10 : i32
        %shift_right_logical3A_239 = vector.broadcast %shift_right_logical3A_238 : i32 to vector<16xi32>
        %shift_right_logical3A_240 = arith.shrui %gather3A_237, %shift_right_logical3A_239 : vector<16xi32>
        %and3A_241 = arith.constant 1023 : i32
        %and3A_242 = vector.broadcast %and3A_241 : i32 to vector<16xi32>
        %and3A_243 = arith.andi %gather3A_237, %and3A_242 : vector<16xi32>
        %gather3A_244 = tpu.vector_load_idx %arg6[%iota3A, %and3A_243] : memref<19x1024xf32, #tpu.memory_space<vmem>>[vector<16xi32>, vector<16xi32>], vector<16xf32>,
        %add3A_245 = arith.addi %iota3A, %shift_right_logical3A_240 : vector<16xi32>
        %gather3A_246 = tpu.vector_load_idx %arg10[%add3A_245] : memref<40992xf32, #tpu.memory_space<vmem>>[vector<16xi32>], vector<16xf32>,
        %max3A_247 = arith.maximumf %gather3A_246, %gather3A_244 : vector<16xf32>
        tpu.vector_store_idx %arg10[%add3A_245], %max3A_247 : memref<40992xf32, #tpu.memory_space<vmem>>[vector<16xi32>], vector<16xf32>,
        %gather3A_248 = tpu.vector_load_idx %arg6[%min3A_70, %and3A_243] masked %lt3A_65 : memref<19x1024xf32, #tpu.memory_space<vmem>>[vector<16xi32>, vector<16xi32>], vector<16xf32>, vector<16xi1>
        %add3A_249 = arith.addi %min3A_70, %shift_right_logical3A_240 : vector<16xi32>
        %gather3A_250 = tpu.vector_load_idx %arg10[%add3A_249] masked %lt3A_65 : memref<40992xf32, #tpu.memory_space<vmem>>[vector<16xi32>], vector<16xf32>, vector<16xi1>
        %max3A_251 = arith.maximumf %gather3A_250, %gather3A_248 : vector<16xf32>
        tpu.vector_store_idx %arg10[%add3A_249], %max3A_251 masked %lt3A_65 : memref<40992xf32, #tpu.memory_space<vmem>>[vector<16xi32>], vector<16xf32>, vector<16xi1>
        %add3A_252 = arith.constant 6 : i32
        %add3A_253 = arith.addi %mul3A_146, %add3A_252 : i32
        %broadcast_in_dim3A_254 = vector.broadcast %add3A_253 : i32 to vector<16xi32>
        %gather3A_255 = tpu.vector_load_idx %arg9[%broadcast_in_dim3A_254] : memref<1040xi32, #tpu.memory_space<vmem>>[vector<16xi32>], vector<16xi32>,
        %shift_right_logical3A_256 = arith.constant 10 : i32
        %shift_right_logical3A_257 = vector.broadcast %shift_right_logical3A_256 : i32 to vector<16xi32>
        %shift_right_logical3A_258 = arith.shrui %gather3A_255, %shift_right_logical3A_257 : vector<16xi32>
        %and3A_259 = arith.constant 1023 : i32
        %and3A_260 = vector.broadcast %and3A_259 : i32 to vector<16xi32>
        %and3A_261 = arith.andi %gather3A_255, %and3A_260 : vector<16xi32>
        %gather3A_262 = tpu.vector_load_idx %arg6[%iota3A, %and3A_261] : memref<19x1024xf32, #tpu.memory_space<vmem>>[vector<16xi32>, vector<16xi32>], vector<16xf32>,
        %add3A_263 = arith.addi %iota3A, %shift_right_logical3A_258 : vector<16xi32>
        %gather3A_264 = tpu.vector_load_idx %arg10[%add3A_263] : memref<40992xf32, #tpu.memory_space<vmem>>[vector<16xi32>], vector<16xf32>,
        %max3A_265 = arith.maximumf %gather3A_264, %gather3A_262 : vector<16xf32>
        tpu.vector_store_idx %arg10[%add3A_263], %max3A_265 : memref<40992xf32, #tpu.memory_space<vmem>>[vector<16xi32>], vector<16xf32>,
        %gather3A_266 = tpu.vector_load_idx %arg6[%min3A_70, %and3A_261] masked %lt3A_65 : memref<19x1024xf32, #tpu.memory_space<vmem>>[vector<16xi32>, vector<16xi32>], vector<16xf32>, vector<16xi1>
        %add3A_267 = arith.addi %min3A_70, %shift_right_logical3A_258 : vector<16xi32>
        %gather3A_268 = tpu.vector_load_idx %arg10[%add3A_267] masked %lt3A_65 : memref<40992xf32, #tpu.memory_space<vmem>>[vector<16xi32>], vector<16xf32>, vector<16xi1>
        %max3A_269 = arith.maximumf %gather3A_268, %gather3A_266 : vector<16xf32>
        tpu.vector_store_idx %arg10[%add3A_267], %max3A_269 masked %lt3A_65 : memref<40992xf32, #tpu.memory_space<vmem>>[vector<16xi32>], vector<16xf32>, vector<16xi1>
        %add3A_270 = arith.constant 7 : i32
        %add3A_271 = arith.addi %mul3A_146, %add3A_270 : i32
        %broadcast_in_dim3A_272 = vector.broadcast %add3A_271 : i32 to vector<16xi32>
        %gather3A_273 = tpu.vector_load_idx %arg9[%broadcast_in_dim3A_272] : memref<1040xi32, #tpu.memory_space<vmem>>[vector<16xi32>], vector<16xi32>,
        %shift_right_logical3A_274 = arith.constant 10 : i32
        %shift_right_logical3A_275 = vector.broadcast %shift_right_logical3A_274 : i32 to vector<16xi32>
        %shift_right_logical3A_276 = arith.shrui %gather3A_273, %shift_right_logical3A_275 : vector<16xi32>
        %and3A_277 = arith.constant 1023 : i32
        %and3A_278 = vector.broadcast %and3A_277 : i32 to vector<16xi32>
        %and3A_279 = arith.andi %gather3A_273, %and3A_278 : vector<16xi32>
        %gather3A_280 = tpu.vector_load_idx %arg6[%iota3A, %and3A_279] : memref<19x1024xf32, #tpu.memory_space<vmem>>[vector<16xi32>, vector<16xi32>], vector<16xf32>,
        %add3A_281 = arith.addi %iota3A, %shift_right_logical3A_276 : vector<16xi32>
        %gather3A_282 = tpu.vector_load_idx %arg10[%add3A_281] : memref<40992xf32, #tpu.memory_space<vmem>>[vector<16xi32>], vector<16xf32>,
        %max3A_283 = arith.maximumf %gather3A_282, %gather3A_280 : vector<16xf32>
        tpu.vector_store_idx %arg10[%add3A_281], %max3A_283 : memref<40992xf32, #tpu.memory_space<vmem>>[vector<16xi32>], vector<16xf32>,
        %gather3A_284 = tpu.vector_load_idx %arg6[%min3A_70, %and3A_279] masked %lt3A_65 : memref<19x1024xf32, #tpu.memory_space<vmem>>[vector<16xi32>, vector<16xi32>], vector<16xf32>, vector<16xi1>
        %add3A_285 = arith.addi %min3A_70, %shift_right_logical3A_276 : vector<16xi32>
        %gather3A_286 = tpu.vector_load_idx %arg10[%add3A_285] masked %lt3A_65 : memref<40992xf32, #tpu.memory_space<vmem>>[vector<16xi32>], vector<16xf32>, vector<16xi1>
        %max3A_287 = arith.maximumf %gather3A_286, %gather3A_284 : vector<16xf32>
        tpu.vector_store_idx %arg10[%add3A_285], %max3A_287 masked %lt3A_65 : memref<40992xf32, #tpu.memory_space<vmem>>[vector<16xi32>], vector<16xf32>, vector<16xi1>
      }
    }
    %scan3A_78 = arith.constant 32 : i32
    "tpu.region"() ({
      %run_scoped3A = tpu.sem_alloc : memref<!tpu.dma_semaphore, #tpu.memory_space<semaphore_mem>>
      %dma_start3A = arith.constant 0 : i32
      %dma_start3A_87 = tpu.memref_slice %arg10[%dma_start3A] : memref<40992xf32, #tpu.memory_space<vmem>> -> memref<40960xf32, #tpu.memory_space<vmem>>
      %dma_start3A_88 = arith.constant 0 : i32
      %dma_start3A_89 = tpu.memref_slice %arg11[%arg1, %dma_start3A_88] : memref<16x40960xf32, #tpu.memory_space<vmem_shared>> -> memref<1x40960xf32, #tpu.memory_space<vmem_shared>>
      %dma_start3A_90 = tpu.memref_squeeze %dma_start3A_89 : memref<1x40960xf32, #tpu.memory_space<vmem_shared>> -> memref<40960xf32, #tpu.memory_space<vmem_shared>>
      %dma_start3A_91 = arith.constant 0 : i32
      %dma_start3A_92 = tpu.memref_slice %arg11[%arg1, %dma_start3A_91] : memref<16x40960xf32, #tpu.memory_space<vmem_shared>> -> memref<1x40960xf32, #tpu.memory_space<vmem_shared>>
      %dma_start3A_93 = tpu.memref_squeeze %dma_start3A_92 : memref<1x40960xf32, #tpu.memory_space<vmem_shared>> -> memref<40960xf32, #tpu.memory_space<vmem_shared>>
      %dma_start3A_94 = arith.constant 0 : i32
      %dma_start3A_95 = tpu.memref_slice %arg10[%dma_start3A_94] : memref<40992xf32, #tpu.memory_space<vmem>> -> memref<40960xf32, #tpu.memory_space<vmem>>
      tpu.enqueue_dma source(%dma_start3A_95 : memref<40960xf32, #tpu.memory_space<vmem>>) target(%dma_start3A_93 : memref<40960xf32, #tpu.memory_space<vmem_shared>>) target_semaphore(%run_scoped3A : memref<!tpu.dma_semaphore, #tpu.memory_space<semaphore_mem>>)
      %dma_wait3A = arith.constant 0 : i32
      %dma_wait3A_96 = tpu.memref_slice %arg10[%dma_wait3A] : memref<40992xf32, #tpu.memory_space<vmem>> -> memref<40960xf32, #tpu.memory_space<vmem>>
      %dma_wait3A_97 = arith.constant 0 : i32
      %dma_wait3A_98 = tpu.memref_slice %arg11[%arg1, %dma_wait3A_97] : memref<16x40960xf32, #tpu.memory_space<vmem_shared>> -> memref<1x40960xf32, #tpu.memory_space<vmem_shared>>
      %dma_wait3A_99 = tpu.memref_squeeze %dma_wait3A_98 : memref<1x40960xf32, #tpu.memory_space<vmem_shared>> -> memref<40960xf32, #tpu.memory_space<vmem_shared>>
      %dma_wait3A_100 = arith.constant 0 : i32
      %dma_wait3A_101 = tpu.memref_slice %arg11[%arg1, %dma_wait3A_100] : memref<16x40960xf32, #tpu.memory_space<vmem_shared>> -> memref<1x40960xf32, #tpu.memory_space<vmem_shared>>
      %dma_wait3A_102 = tpu.memref_squeeze %dma_wait3A_101 : memref<1x40960xf32, #tpu.memory_space<vmem_shared>> -> memref<40960xf32, #tpu.memory_space<vmem_shared>>
      %dma_wait3A_103 = arith.constant 0 : i32
      %dma_wait3A_104 = tpu.memref_slice %arg10[%dma_wait3A_103] : memref<40992xf32, #tpu.memory_space<vmem>> -> memref<40960xf32, #tpu.memory_space<vmem>>
      tpu.wait_dma2 semaphore(%run_scoped3A : memref<!tpu.dma_semaphore, #tpu.memory_space<semaphore_mem>>) src(%dma_wait3A_104 : memref<40960xf32, #tpu.memory_space<vmem>>) dst(%dma_wait3A_102 : memref<40960xf32, #tpu.memory_space<vmem_shared>>)
      tpu.yield
    }) : () -> ()
    %barrier3A = arith.constant 0 : index
    tpu.barrier barrier_id(%barrier3A)
    %mul3A_79 = arith.constant 5120 : i32
    %mul3A_80 = arith.muli %select_n3A_30, %mul3A_79 : i32
    "tpu.region"() ({
      %run_scoped3A = tpu.sem_alloc : memref<!tpu.dma_semaphore, #tpu.memory_space<semaphore_mem>>
      %dma_start3A = arith.constant 0 : i32
      %dma_start3A_87 = tpu.memref_slice %arg10[%dma_start3A] : memref<40992xf32, #tpu.memory_space<vmem>> -> memref<5120xf32, #tpu.memory_space<vmem>>
      %dma_start3A_88 = tpu.memref_slice %arg11[%mul3A_56, %mul3A_80] : memref<16x40960xf32, #tpu.memory_space<vmem_shared>> -> memref<1x5120xf32, #tpu.memory_space<vmem_shared>>
      %dma_start3A_89 = tpu.memref_squeeze %dma_start3A_88 : memref<1x5120xf32, #tpu.memory_space<vmem_shared>> -> memref<5120xf32, #tpu.memory_space<vmem_shared>>
      %dma_start3A_90 = arith.constant 0 : i32
      %dma_start3A_91 = tpu.memref_slice %arg10[%dma_start3A_90] : memref<40992xf32, #tpu.memory_space<vmem>> -> memref<5120xf32, #tpu.memory_space<vmem>>
      %dma_start3A_92 = tpu.memref_slice %arg11[%mul3A_56, %mul3A_80] : memref<16x40960xf32, #tpu.memory_space<vmem_shared>> -> memref<1x5120xf32, #tpu.memory_space<vmem_shared>>
      %dma_start3A_93 = tpu.memref_squeeze %dma_start3A_92 : memref<1x5120xf32, #tpu.memory_space<vmem_shared>> -> memref<5120xf32, #tpu.memory_space<vmem_shared>>
      tpu.enqueue_dma source(%dma_start3A_93 : memref<5120xf32, #tpu.memory_space<vmem_shared>>) target(%dma_start3A_91 : memref<5120xf32, #tpu.memory_space<vmem>>) target_semaphore(%run_scoped3A : memref<!tpu.dma_semaphore, #tpu.memory_space<semaphore_mem>>)
      %dma_wait3A = arith.constant 0 : i32
      %dma_wait3A_94 = tpu.memref_slice %arg10[%dma_wait3A] : memref<40992xf32, #tpu.memory_space<vmem>> -> memref<5120xf32, #tpu.memory_space<vmem>>
      %dma_wait3A_95 = tpu.memref_slice %arg11[%mul3A_56, %mul3A_80] : memref<16x40960xf32, #tpu.memory_space<vmem_shared>> -> memref<1x5120xf32, #tpu.memory_space<vmem_shared>>
      %dma_wait3A_96 = tpu.memref_squeeze %dma_wait3A_95 : memref<1x5120xf32, #tpu.memory_space<vmem_shared>> -> memref<5120xf32, #tpu.memory_space<vmem_shared>>
      %dma_wait3A_97 = arith.constant 0 : i32
      %dma_wait3A_98 = tpu.memref_slice %arg10[%dma_wait3A_97] : memref<40992xf32, #tpu.memory_space<vmem>> -> memref<5120xf32, #tpu.memory_space<vmem>>
      %dma_wait3A_99 = tpu.memref_slice %arg11[%mul3A_56, %mul3A_80] : memref<16x40960xf32, #tpu.memory_space<vmem_shared>> -> memref<1x5120xf32, #tpu.memory_space<vmem_shared>>
      %dma_wait3A_100 = tpu.memref_squeeze %dma_wait3A_99 : memref<1x5120xf32, #tpu.memory_space<vmem_shared>> -> memref<5120xf32, #tpu.memory_space<vmem_shared>>
      tpu.wait_dma2 semaphore(%run_scoped3A : memref<!tpu.dma_semaphore, #tpu.memory_space<semaphore_mem>>) src(%dma_wait3A_100 : memref<5120xf32, #tpu.memory_space<vmem_shared>>) dst(%dma_wait3A_98 : memref<5120xf32, #tpu.memory_space<vmem>>)
      tpu.yield
    }) : () -> ()
    %scan3A_81 = arith.constant 0 : i32
    %scan3A_82 = arith.constant 1 : i32
    %scan3A_83 = arith.constant 7 : i32
    %scan3A_84 = arith.addi %scan3A_82, %scan3A_83 : i32
    %scan3A_85 = arith.constant 1 : i32
    scf.for %scan3A_87 = %scan3A_82 to %scan3A_84 step %scan3A_85  : i32 {
      %add3A_88 = arith.addi %mul3A_56, %scan3A_87 : i32
      "tpu.region"() ({
        %run_scoped3A = tpu.sem_alloc : memref<!tpu.dma_semaphore, #tpu.memory_space<semaphore_mem>>
        %dma_start3A = arith.constant 5120 : i32
        %dma_start3A_95 = tpu.memref_slice %arg10[%dma_start3A] : memref<40992xf32, #tpu.memory_space<vmem>> -> memref<5120xf32, #tpu.memory_space<vmem>>
        %dma_start3A_96 = tpu.memref_slice %arg11[%add3A_88, %mul3A_80] : memref<16x40960xf32, #tpu.memory_space<vmem_shared>> -> memref<1x5120xf32, #tpu.memory_space<vmem_shared>>
        %dma_start3A_97 = tpu.memref_squeeze %dma_start3A_96 : memref<1x5120xf32, #tpu.memory_space<vmem_shared>> -> memref<5120xf32, #tpu.memory_space<vmem_shared>>
        %dma_start3A_98 = arith.constant 5120 : i32
        %dma_start3A_99 = tpu.memref_slice %arg10[%dma_start3A_98] : memref<40992xf32, #tpu.memory_space<vmem>> -> memref<5120xf32, #tpu.memory_space<vmem>>
        %dma_start3A_100 = tpu.memref_slice %arg11[%add3A_88, %mul3A_80] : memref<16x40960xf32, #tpu.memory_space<vmem_shared>> -> memref<1x5120xf32, #tpu.memory_space<vmem_shared>>
        %dma_start3A_101 = tpu.memref_squeeze %dma_start3A_100 : memref<1x5120xf32, #tpu.memory_space<vmem_shared>> -> memref<5120xf32, #tpu.memory_space<vmem_shared>>
        tpu.enqueue_dma source(%dma_start3A_101 : memref<5120xf32, #tpu.memory_space<vmem_shared>>) target(%dma_start3A_99 : memref<5120xf32, #tpu.memory_space<vmem>>) target_semaphore(%run_scoped3A : memref<!tpu.dma_semaphore, #tpu.memory_space<semaphore_mem>>)
        %dma_wait3A = arith.constant 5120 : i32
        %dma_wait3A_102 = tpu.memref_slice %arg10[%dma_wait3A] : memref<40992xf32, #tpu.memory_space<vmem>> -> memref<5120xf32, #tpu.memory_space<vmem>>
        %dma_wait3A_103 = tpu.memref_slice %arg11[%add3A_88, %mul3A_80] : memref<16x40960xf32, #tpu.memory_space<vmem_shared>> -> memref<1x5120xf32, #tpu.memory_space<vmem_shared>>
        %dma_wait3A_104 = tpu.memref_squeeze %dma_wait3A_103 : memref<1x5120xf32, #tpu.memory_space<vmem_shared>> -> memref<5120xf32, #tpu.memory_space<vmem_shared>>
        %dma_wait3A_105 = arith.constant 5120 : i32
        %dma_wait3A_106 = tpu.memref_slice %arg10[%dma_wait3A_105] : memref<40992xf32, #tpu.memory_space<vmem>> -> memref<5120xf32, #tpu.memory_space<vmem>>
        %dma_wait3A_107 = tpu.memref_slice %arg11[%add3A_88, %mul3A_80] : memref<16x40960xf32, #tpu.memory_space<vmem_shared>> -> memref<1x5120xf32, #tpu.memory_space<vmem_shared>>
        %dma_wait3A_108 = tpu.memref_squeeze %dma_wait3A_107 : memref<1x5120xf32, #tpu.memory_space<vmem_shared>> -> memref<5120xf32, #tpu.memory_space<vmem_shared>>
        tpu.wait_dma2 semaphore(%run_scoped3A : memref<!tpu.dma_semaphore, #tpu.memory_space<semaphore_mem>>) src(%dma_wait3A_108 : memref<5120xf32, #tpu.memory_space<vmem_shared>>) dst(%dma_wait3A_106 : memref<5120xf32, #tpu.memory_space<vmem>>)
        tpu.yield
      }) : () -> ()
      %scan3A_89 = arith.constant 0 : i32
      %scan3A_90 = arith.constant 0 : i32
      %scan3A_91 = arith.constant 320 : i32
      %scan3A_92 = arith.addi %scan3A_90, %scan3A_91 : i32
      %scan3A_93 = arith.constant 1 : i32
      scf.for %scan3A_95 = %scan3A_90 to %scan3A_92 step %scan3A_93  : i32 {
        %mul3A_96 = arith.constant 16 : i32
        %mul3A_97 = arith.muli %scan3A_95, %mul3A_96 : i32
        %mul3A_98 = arith.constant 16 : i32
        %mul3A_99 = arith.muli %scan3A_95, %mul3A_98 : i32
        %add3A_100 = arith.constant 5120 : i32
        %add3A_101 = arith.addi %add3A_100, %mul3A_99 : i32
        %get3A = arith.index_cast %mul3A_97 : i32 to index
        %get3A_102 = tpu.vector_load %arg10[%get3A] {strides = array<i32>} : memref<40992xf32, #tpu.memory_space<vmem>>, vector<16xf32>,
        %get3A_103 = arith.index_cast %add3A_101 : i32 to index
        %get3A_104 = tpu.vector_load %arg10[%get3A_103] {strides = array<i32>} : memref<40992xf32, #tpu.memory_space<vmem>>, vector<16xf32>,
        %max3A = arith.maximumf %get3A_102, %get3A_104 : vector<16xf32>
        %swap3A = arith.index_cast %mul3A_97 : i32 to index
        %swap3A_105 = tpu.vector_load %arg10[%swap3A] {strides = array<i32>} : memref<40992xf32, #tpu.memory_space<vmem>>, vector<16xf32>,
        tpu.vector_store %arg10[%swap3A], %max3A {strides = array<i32>} : memref<40992xf32, #tpu.memory_space<vmem>>, vector<16xf32>,
      }
      %scan3A_94 = arith.constant 320 : i32
    }
    %scan3A_86 = arith.constant 7 : i32
    "tpu.region"() ({
      %run_scoped3A = tpu.sem_alloc : memref<!tpu.dma_semaphore, #tpu.memory_space<semaphore_mem>>
      %dma_start3A = arith.constant 0 : i32
      %dma_start3A_87 = tpu.memref_slice %arg10[%dma_start3A] : memref<40992xf32, #tpu.memory_space<vmem>> -> memref<5120xf32, #tpu.memory_space<vmem>>
      %dma_start3A_88 = tpu.memref_slice %arg5[%add3A, %mul3A_80] : memref<4x40960xf32, #tpu.memory_space<hbm>> -> memref<1x5120xf32, #tpu.memory_space<hbm>>
      %dma_start3A_89 = tpu.memref_squeeze %dma_start3A_88 : memref<1x5120xf32, #tpu.memory_space<hbm>> -> memref<5120xf32, #tpu.memory_space<hbm>>
      %dma_start3A_90 = tpu.memref_slice %arg5[%add3A, %mul3A_80] : memref<4x40960xf32, #tpu.memory_space<hbm>> -> memref<1x5120xf32, #tpu.memory_space<hbm>>
      %dma_start3A_91 = tpu.memref_squeeze %dma_start3A_90 : memref<1x5120xf32, #tpu.memory_space<hbm>> -> memref<5120xf32, #tpu.memory_space<hbm>>
      %dma_start3A_92 = arith.constant 0 : i32
      %dma_start3A_93 = tpu.memref_slice %arg10[%dma_start3A_92] : memref<40992xf32, #tpu.memory_space<vmem>> -> memref<5120xf32, #tpu.memory_space<vmem>>
      tpu.enqueue_dma source(%dma_start3A_93 : memref<5120xf32, #tpu.memory_space<vmem>>) target(%dma_start3A_91 : memref<5120xf32, #tpu.memory_space<hbm>>) target_semaphore(%run_scoped3A : memref<!tpu.dma_semaphore, #tpu.memory_space<semaphore_mem>>)
      %dma_wait3A = arith.constant 0 : i32
      %dma_wait3A_94 = tpu.memref_slice %arg10[%dma_wait3A] : memref<40992xf32, #tpu.memory_space<vmem>> -> memref<5120xf32, #tpu.memory_space<vmem>>
      %dma_wait3A_95 = tpu.memref_slice %arg5[%add3A, %mul3A_80] : memref<4x40960xf32, #tpu.memory_space<hbm>> -> memref<1x5120xf32, #tpu.memory_space<hbm>>
      %dma_wait3A_96 = tpu.memref_squeeze %dma_wait3A_95 : memref<1x5120xf32, #tpu.memory_space<hbm>> -> memref<5120xf32, #tpu.memory_space<hbm>>
      %dma_wait3A_97 = tpu.memref_slice %arg5[%add3A, %mul3A_80] : memref<4x40960xf32, #tpu.memory_space<hbm>> -> memref<1x5120xf32, #tpu.memory_space<hbm>>
      %dma_wait3A_98 = tpu.memref_squeeze %dma_wait3A_97 : memref<1x5120xf32, #tpu.memory_space<hbm>> -> memref<5120xf32, #tpu.memory_space<hbm>>
      %dma_wait3A_99 = arith.constant 0 : i32
      %dma_wait3A_100 = tpu.memref_slice %arg10[%dma_wait3A_99] : memref<40992xf32, #tpu.memory_space<vmem>> -> memref<5120xf32, #tpu.memory_space<vmem>>
      tpu.wait_dma2 semaphore(%run_scoped3A : memref<!tpu.dma_semaphore, #tpu.memory_space<semaphore_mem>>) src(%dma_wait3A_100 : memref<5120xf32, #tpu.memory_space<vmem>>) dst(%dma_wait3A_98 : memref<5120xf32, #tpu.memory_space<hbm>>)
      tpu.yield
    }) : () -> ()
    return
  }
}

module attributes {stable_mosaic.version = 14 : i64} {
  func.func @_loss_body(%arg0: memref<4x2048x20xf32, #tpu.memory_space<vmem>>, %arg1: memref<4x2048x20xf32, #tpu.memory_space<vmem>>, %arg2: memref<1x1xf32, #tpu.memory_space<vmem>>) attributes {dimension_semantics = [], scalar_prefetch = 0 : i64, scratch_operands = 0 : i64, tpu.core_type = #tpu.core_type<tc>} {
    %get3A = arith.constant 0 : index
    %get3A_0 = arith.constant 0 : index
    %get3A_1 = arith.constant 0 : index
    %get3A_2 = vector.load %arg0[%get3A, %get3A_0, %get3A_1] : memref<4x2048x20xf32, #tpu.memory_space<vmem>>, vector<4x2048x20xf32>
    %get3A_3 = arith.constant 0 : index
    %get3A_4 = arith.constant 0 : index
    %get3A_5 = arith.constant 0 : index
    %get3A_6 = vector.load %arg1[%get3A_3, %get3A_4, %get3A_5] : memref<4x2048x20xf32, #tpu.memory_space<vmem>>, vector<4x2048x20xf32>
    %iota3A = tpu.iota {dimensions = array<i32: 2>} : vector<4x2048x20xi32>
    %lt3A = arith.constant 19 : i32
    %lt3A_7 = vector.broadcast %lt3A : i32 to vector<4x2048x20xi32>
    %lt3A_8 = arith.cmpi slt, %iota3A, %lt3A_7 : vector<4x2048x20xi32>
    %jit3A = arith.constant 0.000000e+00 : f32
    %broadcast_in_dim3A = vector.broadcast %jit3A : f32 to vector<4x2048x20xf32>
    %select_n3A = arith.select %lt3A_8, %get3A_6, %broadcast_in_dim3A : vector<4x2048x20xi1>, vector<4x2048x20xf32>
    %ne3A = arith.constant 0.000000e+00 : f32
    %ne3A_9 = vector.broadcast %ne3A : f32 to vector<4x2048x20xf32>
    %ne3A_10 = arith.cmpf one, %select_n3A, %ne3A_9 : vector<4x2048x20xf32>
    %reduce_or3A = arith.constant 1.000000e+00 : f32
    %reduce_or3A_11 = arith.constant 0.000000e+00 : f32
    %reduce_or3A_12 = vector.broadcast %reduce_or3A : f32 to vector<4x2048x20xf32>
    %reduce_or3A_13 = vector.broadcast %reduce_or3A_11 : f32 to vector<4x2048x20xf32>
    %reduce_or3A_14 = arith.select %ne3A_10, %reduce_or3A_12, %reduce_or3A_13 : vector<4x2048x20xi1>, vector<4x2048x20xf32>
    %reduce_or3A_15 = arith.constant dense<0xFF800000> : vector<4x2048xf32>
    %reduce_or3A_16 = vector.multi_reduction <maximumf>, %reduce_or3A_14, %reduce_or3A_15 [2] : vector<4x2048x20xf32> to vector<4x2048xf32>
    %reduce_or3A_17 = arith.constant 0.000000e+00 : f32
    %reduce_or3A_18 = vector.broadcast %reduce_or3A_17 : f32 to vector<4x2048xf32>
    %reduce_or3A_19 = arith.cmpf ogt, %reduce_or3A_16, %reduce_or3A_18 : vector<4x2048xf32>
    %broadcast_in_dim3A_20 = vector.shape_cast %reduce_or3A_19 : vector<4x2048xi1> to vector<4x2048x1xi1>
    %mul3A = arith.mulf %get3A_2, %select_n3A : vector<4x2048x20xf32>
    %convert_element_type3A = arith.extui %broadcast_in_dim3A_20 : vector<4x2048x1xi1> to vector<4x2048x1xi32>
    %convert_element_type3A_21 = arith.sitofp %convert_element_type3A : vector<4x2048x1xi32> to vector<4x2048x1xf32>
    %mul3A_22 = vector.broadcast %convert_element_type3A_21 : vector<4x2048x1xf32> to vector<4x2048x20xf32>
    %mul3A_23 = arith.mulf %mul3A, %mul3A_22 : vector<4x2048x20xf32>
    %gt3A = arith.constant 0.000000e+00 : f32
    %gt3A_24 = vector.broadcast %gt3A : f32 to vector<4x2048x20xf32>
    %gt3A_25 = arith.cmpf ogt, %mul3A_23, %gt3A_24 : vector<4x2048x20xf32>
    %convert_element_type3A_26 = arith.extui %gt3A_25 : vector<4x2048x20xi1> to vector<4x2048x20xi32>
    %convert_element_type3A_27 = arith.sitofp %convert_element_type3A_26 : vector<4x2048x20xi32> to vector<4x2048x20xf32>
    %reduce_sum3A = vector.shape_cast %convert_element_type3A_27 : vector<4x2048x20xf32> to vector<1x4x2048x20xf32>
    %reduce_sum3A_28 = arith.constant dense<0.000000e+00> : vector<1xf32>
    %reduce_sum3A_29 = vector.multi_reduction <add>, %reduce_sum3A, %reduce_sum3A_28 [1, 2, 3] : vector<1x4x2048x20xf32> to vector<1xf32>
    %reduce_sum3A_30 = vector.shape_cast %reduce_sum3A_29 : vector<1xf32> to vector<1x1x1x1xf32>
    %reduce_sum3A_31 = vector.extract %reduce_sum3A_30[0, 0, 0, 0] : f32 from vector<1x1x1x1xf32>
    %add3A = arith.constant 9.99999993E-9 : f32
    %add3A_32 = vector.broadcast %add3A : f32 to vector<4x2048x20xf32>
    %add3A_33 = arith.addf %mul3A_23, %add3A_32 : vector<4x2048x20xf32>
    %log3A = math.log %add3A_33 : vector<4x2048x20xf32>
    %neg3A = arith.constant 0.000000e+00 : f32
    %neg3A_34 = vector.broadcast %neg3A : f32 to vector<4x2048x20xf32>
    %neg3A_35 = arith.subf %neg3A_34, %log3A : vector<4x2048x20xf32>
    %jit3A_36 = arith.constant 0.000000e+00 : f32
    %broadcast_in_dim3A_37 = vector.broadcast %jit3A_36 : f32 to vector<4x2048x20xf32>
    %select_n3A_38 = arith.select %gt3A_25, %neg3A_35, %broadcast_in_dim3A_37 : vector<4x2048x20xi1>, vector<4x2048x20xf32>
    %reduce_sum3A_39 = vector.shape_cast %select_n3A_38 : vector<4x2048x20xf32> to vector<1x4x2048x20xf32>
    %reduce_sum3A_40 = arith.constant dense<0.000000e+00> : vector<1xf32>
    %reduce_sum3A_41 = vector.multi_reduction <add>, %reduce_sum3A_39, %reduce_sum3A_40 [1, 2, 3] : vector<1x4x2048x20xf32> to vector<1xf32>
    %reduce_sum3A_42 = vector.shape_cast %reduce_sum3A_41 : vector<1xf32> to vector<1x1x1x1xf32>
    %reduce_sum3A_43 = vector.extract %reduce_sum3A_42[0, 0, 0, 0] : f32 from vector<1x1x1x1xf32>
    %add3A_44 = arith.constant 1.000000e+00 : f32
    %add3A_45 = arith.addf %reduce_sum3A_31, %add3A_44 : f32
    %div3A = arith.divf %reduce_sum3A_43, %add3A_45 : f32
    %broadcast_in_dim3A_46 = vector.broadcast %div3A : f32 to vector<1x1xf32>
    %swap3A = arith.constant 0 : index
    %swap3A_47 = arith.constant 0 : index
    %swap3A_48 = vector.load %arg2[%swap3A, %swap3A_47] : memref<1x1xf32, #tpu.memory_space<vmem>>, vector<1x1xf32>
    tpu.vector_store %arg2[%swap3A, %swap3A_47], %broadcast_in_dim3A_46 {strides = array<i32>} : memref<1x1xf32, #tpu.memory_space<vmem>>, vector<1x1xf32>,
    return
  }
}

</mosaic_0001>

<sc_bundles>
// kernel: kernel.4.cloned.1.call-start
scs
__scs_entry_jumppad:
0x0: {  	(pc) =	sbr.rel $0x88, $3  }
0x1: {  	(tag) =	ssettag $0x0;
	lr =	simm.s32 $0x1  }
0x2: {  	[smem:$0x3F9D] =	sst lr;
	_ =	strace $0xD0000000  }
0x3: {  	_ = 	snop  }
0x4: {  	_ = 	snop  }
0x5: {  	_ = 	snop  }
0x6: {  	_ = 	snop  }
0x7: {  	_ = 	snop  }
__scs_overlays_trampoline_lowered:
0x8: {  	[smem:$0x3FAC] =	sst s0  }
0x9: {  	[smem:$0x3FAD] =	sst s1  }
0xa: {  	[smem:$0x3FAE] =	sst s2  }
0xb: {  	[smem:$0x3FAF] =	sst s3  }
0xc: {  	[smem:$0x3FB0] =	sst s4  }
0xd: {  	[smem:$0x3FB1] =	sst s5  }
0xe: {  	[smem:$0x3FB2] =	sst s6  }
0xf: {  	[smem:$0x3FB3] =	sst s7  }
0x10: {  	[smem:$0x3FB4] =	sst s8  }
0x11: {  	[smem:$0x3FB5] =	sst s9;
	s0 =	simm.s32 @!p0 $0x0  }
0x12: {  	s1 =	sld [smem:$0x3F9B];
	s0 =	simm.s32 @p0 $0x1  }
0x13: {  	[smem:$0x3FB6] =	sst s0;
	s0 =	simm.s32 @!p1 $0x0  }
0x14: {  	s2 =	sld [smem:$0x3F9A];
	s0 =	simm.s32 @p1 $0x1  }
0x15: {  	[smem:$0x3FB7] =	sst s0;
	s0 =	simm.s32 @!p2 $0x0  }
0x16: {  	s3 =	sld [smem:$0x3FDB];
	s0 =	simm.s32 @p2 $0x1  }
0x17: {  	s4 =	simm.s32 $0x1BF5;
	[smem:$0x3FB9] =	sst s0  }
0x18: {  	s0 =	sld [smem:$0x3F9C];
	_ =	swait.ge [sflag:s4], $0x0  }
0x19: {  	s7 =	sld [smem:$0x3F9D]  }
0x1a: {  	s8 =	sadd.s32 $0xFFFFE003, lr  }
0x1b: {  	s9 =	sadd.s32 $0xFFFFFEF7, lr;
	s5 =	simm.s32 $0xFFFFFFFF;
	p2 =	slt.u32 s8, $0xFFFFF086  }
0x1c: {  	p1 =	slt.u32 s9, $0xF7A;
	s5 =	simm.s32 @!p2 $0x0  }
0x1d: {  	s5 =	simm.s32 @p1 $0x1;
	p0 =	seq.s32 s7, s2  }
0x1e: {  	s7 =	smul.u32 @!p0 $0xF7A, s2;
	p2 =	seq.s32 @!p0 s5, $0x0  }
0x1f: {  	s9 =	smul.u32 $0xF7A, s1;
	s8 =	simm.s32 @!p0 $0x1BF5;
	p2 =	por !p2, p0  }
0x20: {  	[sflag:s8] =	ssyncset.s32 @!p0 $0xFFFFF086;
	s6 =	sadd.s32 @!p0 s3, s7;
	s7 =	simm.s32 @!p0 $0x108  }
0x21: {  	s3 =	sadd.s32 s3, s9;
	s6 =	sadd.s32 @!p0 $0x88, s6;
	s7 =	simm.s32 @p2 $0x1082  }
0x22: {  	[simem:s7], [sflag:s8] =	dma.local @!p0 [hbm:s6], $0xF7A  }
0x23: {  	s9 =	sor.u32 $0xD0000000, s2;
	s6 =	simm.s32 $0x108;
	_ =	swait.ge @!p0 [sflag:s8], $0x0  }
0x24: {  	s3 =	sadd.s32 $0x88, s3;
	s6 =	simm.s32 @!p1 $0x1082;
	[sflag:s4] =	ssyncset.s32 $0xFFFFF086  }
0x25: {  	[simem:s6], [sflag:s4] =	dma.local [hbm:s3], $0xF7A  }
0x26: {  	[smem:$0x3F9D] =	sst s1;
	(tag) =	ssettag s2;
	_ =	strace s9  }
0x27: {  	s1 =	sld [smem:$0x3FAD]  }
0x28: {  	s2 =	sld [smem:$0x3FAE]  }
0x29: {  	s4 =	sld [smem:$0x3FB0]  }
0x2a: {  	p0 =	seq.s32 s5, $0x0;
	s5 =	sld [smem:$0x3FB1]  }
0x2b: {  	s6 =	sld [smem:$0x3FB2]  }
0x2c: {  	s7 =	sld [smem:$0x3FB3]  }
0x2d: {  	s3 =	simm.s32 $0x108;
	s8 =	sld [smem:$0x3FB4]  }
0x2e: {  	s3 =	simm.s32 @!p0 $0x1082;
	s9 =	sld [smem:$0x3FB5]  }
0x2f: {  	lr =	sadd.s32 s0, s3;
	s0 =	sld [smem:$0x3FAC]  }
0x30: {  	s3 =	sld [smem:$0x3FAF]  }
0x31: {  	[smem:$0x3FB8] =	sst s10  }
0x32: {  	s10 =	sld [smem:$0x3FB6];
	_ =	sdelay $0x3  }
0x33: {  	p0 =	seq.s32 s10, $0x1;
	s10 =	sld [smem:$0x3FB8];
	_ =	sdelay $0x3  }
0x34: {  	[smem:$0x3FB8] =	sst s10  }
0x35: {  	s10 =	sld [smem:$0x3FB7];
	_ =	sdelay $0x3  }
0x36: {  	p1 =	seq.s32 s10, $0x1;
	s10 =	sld [smem:$0x3FB8];
	_ =	sdelay $0x3  }
0x37: {  	[smem:$0x3FB8] =	sst s10  }
0x38: {  	s10 =	sld [smem:$0x3FB9]  }
0x39: {  	_ = 	snop;
	(pc) =	sbr.ind lr, $3  }
0x3a: {  	_ = 	snop  }
0x3b: {  	_ = 	snop  }
0x3c: {  	p2 =	seq.s32 s10, $0x1;
	s10 =	sld [smem:$0x3FB8]  }
0x3d: {  	_ =	shalt  }
0x3e: {  	_ =	shalt  }
0x3f: {  	_ =	shalt  }
0x40: {  	_ =	shalt  }
0x41: {  	_ =	shalt  }
0x42: {  	_ =	shalt  }
0x43: {  	_ =	shalt  }
0x44: {  	_ =	shalt  }
0x45: {  	_ =	shalt  }
0x46: {  	_ =	shalt  }
0x47: {  	_ =	shalt  }
0x48: {  	_ =	shalt  }
0x49: {  	_ =	shalt  }
0x4a: {  	_ =	shalt  }
0x4b: {  	_ =	shalt  }
0x4c: {  	_ =	shalt  }
0x4d: {  	_ =	shalt  }
0x4e: {  	_ =	shalt  }
0x4f: {  	_ =	shalt  }
0x50: {  	_ =	shalt  }
0x51: {  	_ =	shalt  }
0x52: {  	_ =	shalt  }
0x53: {  	_ =	shalt  }
0x54: {  	_ =	shalt  }
0x55: {  	_ =	shalt  }
0x56: {  	_ =	shalt  }
0x57: {  	_ =	shalt  }
0x58: {  	_ =	shalt  }
0x59: {  	_ =	shalt  }
0x5a: {  	_ =	shalt  }
0x5b: {  	_ =	shalt  }
0x5c: {  	_ =	shalt  }
0x5d: {  	_ =	shalt  }
0x5e: {  	_ =	shalt  }
0x5f: {  	_ =	shalt  }
0x60: {  	_ =	shalt  }
0x61: {  	_ =	shalt  }
0x62: {  	_ =	shalt  }
0x63: {  	_ =	shalt  }
0x64: {  	_ =	shalt  }
0x65: {  	_ =	shalt  }
0x66: {  	_ =	shalt  }
0x67: {  	_ =	shalt  }
0x68: {  	_ =	shalt  }
0x69: {  	_ =	shalt  }
0x6a: {  	_ =	shalt  }
0x6b: {  	_ =	shalt  }
0x6c: {  	_ =	shalt  }
0x6d: {  	_ =	shalt  }
0x6e: {  	_ =	shalt  }
0x6f: {  	_ =	shalt  }
0x70: {  	_ =	shalt  }
0x71: {  	_ =	shalt  }
0x72: {  	_ =	shalt  }
0x73: {  	_ =	shalt  }
0x74: {  	_ =	shalt  }
0x75: {  	_ =	shalt  }
0x76: {  	_ =	shalt  }
0x77: {  	_ =	shalt  }
0x78: {  	_ =	shalt  }
0x79: {  	_ =	shalt  }
0x7a: {  	_ =	shalt  }
0x7b: {  	_ =	shalt  }
0x7c: {  	_ =	shalt  }
0x7d: {  	_ =	shalt  }
0x7e: {  	_ =	shalt  }
0x7f: {  	_ =	shalt  }
0x80: {  	_ =	shalt  }
0x81: {  	_ =	shalt  }
0x82: {  	_ =	shalt  }
0x83: {  	_ =	shalt  }
0x84: {  	_ =	shalt  }
0x85: {  	_ =	shalt  }
0x86: {  	_ =	shalt  }
0x87: {  	_ =	shalt  }
.Lfunc_end0:
.L_simem_size_0:
called_computation_lowered:
.L_overlay_start_0:
0x88: {  	s2 =	sld [smem:$0x3FD9]  }
0x89: {  	s3 =	sld [smem:$0x3FFE];
	_ =	sdelay $0x1  }
0x8a: {  	s1 =	srdreg.scid  }
0x8b: {  	s0 =	sand.u32 $0x1, s1  }
0x8c: {  	s16 =	sshll.u32 s0, $0xA;
	s2 =	sadd.s32 s3, s2  }
0x8d: {  	s2 =	sadd.s32 s2, s16  }
0x8e: {  	[smem:$0x3FC4] =	sst s2  }
0x8f: {  	_ = 	snop  }
0x90: {  	(tm) =	ssettm $0x1  }
0x91: {  	s17 =	sld [smem:$0x3FFB];
	_ =	sdelay $0x3  }
0x92: {  	_ =	strace s17  }
0x93: {  	s2 =	sld [smem:$0x3FFC];
	_ =	sdelay $0x3  }
0x94: {  	_ =	strace s2  }
0x95: {  	s2 =	sld [smem:$0x3FFD];
	_ =	sdelay $0x3  }
0x96: {  	_ =	strace s2  }
0x97: {  	_ =	strace $0x8FFFFFFF  }
0x98: {  	s18 =	sld [smem:$0x3FDB];
	_ =	sdelay $0x1  }
0x99: {  	s19 =	simm.s32 $_scs_section_size  }
0x9a: {  	s4 =	simm.s32 $_size__tile_overlayer_lowered;
	s5 =	simm.s32 $_tile_overlayer_lowered  }
0x9b: {  	s22 =	simm.s32 $0x1BFF;
	s21 =	sshll.u32 s5, $0x1;
	s2 =	sadd.s32 s19, s18  }
0x9c: {  	s6 =	simm.s32 $0x0;
	s20 =	sshll.u32 s4, $0x1;
	s4 =	sadd.s32 s21, s2  }
0x9d: {  	[timem:s6], [sflag:s22] =	dma.local [hbm:s4], s20  }
0x9e: {  	_ =	swait.ge [sflag:s22], s20  }
0x9f: {  	s3 =	ssub.s32 $0x0, s20;
	[sflag:s22] =	ssyncset.done $0x0  }
0xa0: {  	[sflag:s22] =	ssyncadd.s32 s3;
	_ =	sdelay $0x1  }
0xa1: {  	s23 =	simm.s32 $0x1B8B  }
0xa2: {  	_ =	swait.ge [sflag:s23], $0x1  }
0xa3: {  	[sflag:s23] =	ssyncset.done $0x0  }
0xa4: {  	s25 =	simm.s32 $0x1B8E;
	s24 =	sld [smem:$0x3FFE];
	[sflag:s23] =	ssyncadd.s32 $0xFFFFFFFF  }
0xa5: {  	s26 =	simm.s32 $execute0_lowered;
	[smem:$0x3FD2] =	sst s25  }
0xa6: {  	s4 =	sshll.u32 s26, $0x1;
	_ =	strace $0x80000046;
	[dreg:$0x1] =	wrdreg $0xFFFFFFFF  }
0xa7: {  	s28 =	simm.s32 $_size_execute0_lowered;
	s2 =	sadd.s32 s2, s4;
	[dreg:$0x0] =	wrdreg $0x0  }
0xa8: {  	s4 =	sshll.u32 s28, $0x1;
	[dreg:$0x2] =	wrdreg s2  }
0xa9: {  	[dreg:$0x3] =	wrdreg s4  }
0xaa: {  	[dreg:$0x4] =	wrdreg $0xC0  }
0xab: {  	_ =	task [dreg:s6], $0x5FFFF  }
0xac: {  	[dreg:$0x1] =	wrdreg $0xFFFFFFFF  }
0xad: {  	[dreg:$0x0] =	wrdreg $0x60  }
0xae: {  	[dreg:$0x2] =	wrdreg s24  }
0xaf: {  	[dreg:$0x3] =	wrdreg $0x10D000  }
0xb0: {  	[dreg:$0x4] =	wrdreg $0x9  }
0xb1: {  	_ =	task.clear_ibuf [dreg:s6], $0x5FFFF;
	_ =	strace $0x90000046  }
0xb2: {  	s29 =	simm.s32 $0x9;
	_ =	strace $0x80000048  }
0xb3: {  	_ =	swait.ge [sflag:s29], $0x1  }
0xb4: {  	[sflag:s29] =	ssyncadd.s32 $0xFFFFFFFF  }
0xb5: {  	_ =	strace $0x90000048  }
0xb6: {  	_ =	sfence  }
0xb7: {  	s30 =	sld [smem:$0x0];
	_ =	sdelay $0x2  }
0xb8: {  	s31 =	sshll.u32 s1, $0xD;
	s1 =	sshrl.u32 s1, $0x2  }
0xb9: {  	s3 =	sand.u32 $0x4000, s31;
	s1 =	sadd.s32 s1, s30  }
0xba: {  	s0 =	sor.u32 s3, s0;
	s1 =	sshll.u32 s1, $0x11  }
0xbb: {  	s0 =	sor.u32 s1, s0  }
0xbc: {  	s0 =	sadd.s32 $0x8F2B, s0  }
0xbd: {  	[sflag:s0] =	ssyncadd.remote.s32 $0x1  }
0xbe: {  	_ =	sfence.sel $0xFFFF  }
0xbf: {  	[dreg:$0x0] =	wrdreg $0xFFFFFFFF;
	(pc) =	sbr.abs _section_cstart, $3  }
0xc0: {  	[dreg:$0x1] =	wrdreg $0xFFFFFFFF  }
0xc1: {  	_ =	task.clear_ibuf [dreg:s6], $0x2FFFF;
	_ =	strace $0x9FFFFFFF  }
0xc2: {  	(tm) =	ssettm $0x7FFFFFFF  }
0xc3: {  	_ =	shalt  }
tec
execute0_lowered:
.L_overlay_start_1:
0x0: {  	(tag) =	ssettag $0x1  }
0x1: {  	s3 =	rddreg [dreg:$0x0]  }
0x2: {  	s4 =	rddreg [dreg:$0x1];
	s5 =	srdreg.scid  }
0x3: {  	s0 =	stileid.u32;
	s2 =	simm.s32 $0x0;
	s17 =	simm.s32 $0x2000  }
0x4: {  	s18 =	simm.s32 $0x200000;
	s19 =	simm.s32 $0x1;
	s20 =	simm.s32 $0x80  }
0x5: {  	s28 =	simm.s32 $0x6C80;
	s29 =	simm.s32 $0x0;
	s5 =	sand.u32 $0x1, s5  }
0x6: {  	s7 =	sshrl.u32 s0, $0x3;
	s6 =	sand.u32 $0x7, s0;
	[smem:$0x7FF] =	sst s2  }
0x7: {  	s26 =	sshll.u32 s0, $0x7;
	s8 =	sshll.u32 s5, $0x8;
	s10 =	smul.u32 $0x180000, s5  }
0x8: {  	s9 =	sshll.u32 s7, $0x7;
	s21 =	sshll.u32 s6, $0x11;
	s11 =	smul.u32 $0x5000, s6  }
0x9: {  	_ =	strace $0x80000047;
	s5 =	ssub.s32 $0x2, s5;
	s22 =	smul.u32 $0x140000, s7  }
0xa: {  	s24 =	smul.u32 $0x28000, s6;
	s14 =	sshll.u32 s6, $0xF;
	s8 =	sor.u32 s9, s8  }
0xb: {  	s13 =	smul.u32 $0xC0000, s7;
	s23 =	sshrl.u32 s5, $0x1;
	s9 =	sor.u32 s21, s8  }
0xc: {  	s12 =	sadd.s32 s10, s3;
	s8 =	sor.u32 s11, s8;
	s25 =	ssub.s32 s5, s23  }
0xd: {  	s30 =	sshrl.u32 s22, $0x2;
	s31 =	sshrl.u32 s24, $0x2;
	s21 =	simm.s32 $0x200  }
0xe: {  	s22 =	simm.s32 $0x6000;
	s23 =	simm.s32 $0x6400;
	s24 =	simm.s32 $0x6800  }
0xf: {  	s9 =	sshrl.u32 s9, $0x3;
	s8 =	sshrl.u32 s8, $0x3;
	s4 =	sadd.s32 s30, s4  }
0x10: {  	s6 =	smax.u32 s25, $0x1;
	s15 =	sadd.s32 s13, s12;
	s25 =	simm.s32 $0x400  }
0x11: {  	s16 =	sadd.s32 s9, s3;
	s8 =	sadd.s32 s8, s3;
	s3 =	sand.u32 $0x380, s26  }
0x12: {  	s14 =	sadd.s32 s14, s15;
	s26 =	simm.s32 $0x8080;
	s3 =	sadd.s32 s3, s4  }
0x13: {  	v1 =	vlaneseq.u32;
	s4 =	sadd.s32 s31, s4;
	s5 =	sadd.s32 $0x340A00, s8;
	s14 =	sadd.s32 $0xA00, s14  }
0x14: {  	s15 =	sadd.s32 $0x300A00, s16;
	s16 =	sadd.s32 $0x320A00, s16;
	s7 =	sadd.s32 $0x80, s4  }
0x15: {  	s8 =	sadd.s32 $0x100, s4;
	s9 =	sadd.s32 $0x180, s4;
	s10 =	sadd.s32 $0x200, s4  }
0x16: {  	v0 =	vimm.f32 $0.0e+00;
	v2 =	vimm.s32 $0x2800000;
	s11 =	sadd.s32 $0x280, s4;
	s12 =	sadd.s32 $0x300, s4;
	s13 =	sadd.s32 $0x380, s4  }
.LBB2_1:
0x17: {  	s30 =	simm.s32 $0x0  }
.LBB2_2:
0x18: {  	p0 =	sne.s32 s30, $0x28040  }
.Ltmp0:
0x19: {  	_ = 	snop;
	(pc) =	sbr.rel @p0 .LBB2_2-.Ltmp0, $3  }
0x1a: {  	_ =	sdelay $0x1  }
0x1b: {  	s31 =	sshra.s32 s30, $0x2  }
0x1c: {  	s30 =	sadd.s32 $0x40, s30;
	[tilespmem:s31+$0x6C80] =	vst v0  }
0x1d: {  	[tilespmem:s2], [sflag:$0x1] =	stream.strided.gather [hbm4b:s14+s17], $0x6000, s18, s17, $0x38;
	[tilespmem:$0x1AD00] =	vst v63  }
0x1e: {  	_ =	swait.ge [sflag:s19], $0x6000  }
0x1f: {  	[sflag:s19] =	ssyncset.done $0x0  }
0x20: {  	s30 =	sadd.s32 $0x0, s16;
	[sflag:s19] =	ssyncadd.s32 $0xFFFFA000  }
0x21: {  	[tilespmem:s22], [sflag:$0x1] =	stream.strided.gather [hbm4b:s30+s20], $0x400, s21, s20, $0x38;
	[tilespmem:$0x1AD00] =	vst v63  }
0x22: {  	_ =	swait.ge [sflag:s19], $0x400  }
0x23: {  	[sflag:s19] =	ssyncset.done $0x0  }
0x24: {  	s30 =	sadd.s32 $0x0, s15;
	[sflag:s19] =	ssyncadd.s32 $0xFFFFFC00  }
0x25: {  	[tilespmem:s23], [sflag:$0x1] =	stream.strided.gather [hbm4b:s30+s20], $0x400, s21, s20, $0x38;
	[tilespmem:$0x1AD00] =	vst v63  }
0x26: {  	_ =	swait.ge [sflag:s19], $0x400  }
0x27: {  	[sflag:s19] =	ssyncset.done $0x0  }
0x28: {  	s31 =	smov.u32 s14;
	s30 =	simm.s32 $0x200;
	[sflag:s19] =	ssyncadd.s32 $0xFFFFFC00  }
.LBB2_4:
0x29: {  	p0 =	sne.s32 s30, $0x3E00  }
0x2a: {  	[tilespmem:v1+s24+$0x0] =	vst.idx.msk $0xffff, v2;
	s31 =	sadd.s32 $0x400, s31;
	s0 =	smov.u32 s30;
	s30 =	sadd.s32 $0x200, s30  }
0x2b: {  	[tilespmem:s2], [sflag:$0x1] =	stream.strided.gather [hbm4b:s31+s17], $0x6000, s18, s17, $0x38;
	[tilespmem:$0x1AD00] =	vst v63  }
0x2c: {  	_ =	swait.ge [sflag:s19], $0x6000  }
0x2d: {  	[sflag:s19] =	ssyncset.done $0x0  }
0x2e: {  	s1 =	sadd.s32 s0, s16;
	[sflag:s19] =	ssyncadd.s32 $0xFFFFA000  }
0x2f: {  	[tilespmem:s22], [sflag:$0x1] =	stream.strided.gather [hbm4b:s1+s20], $0x400, s21, s20, $0x38;
	[tilespmem:$0x1AD00] =	vst v63  }
0x30: {  	_ =	swait.ge [sflag:s19], $0x400  }
0x31: {  	[sflag:s19] =	ssyncset.done $0x0  }
.Ltmp1:
0x32: {  	s0 =	sadd.s32 s0, s15;
	[sflag:s19] =	ssyncadd.s32 $0xFFFFFC00;
	(pc) =	sbr.rel @p0 .LBB2_4-.Ltmp1, $4  }
0x33: {  	[tilespmem:s23], [sflag:$0x1] =	stream.strided.gather [hbm4b:s0+s20], $0x400, s21, s20, $0x38;
	[tilespmem:$0x1AD00] =	vst v63  }
0x34: {  	_ =	swait.ge [sflag:s19], $0x400  }
0x35: {  	[sflag:s19] =	ssyncset.done $0x0  }
0x36: {  	[sflag:s19] =	ssyncadd.s32 $0xFFFFFC00  }
0x37: {  	_ =	sdelay $0x3  }
0x38: {  	[tilespmem:v1+s24+$0x0] =	vst.idx.msk $0xffff, v2;
	s30 =	simm.s32 $0x6C80  }
0x39: {  	[spmem:s3] =	stream.strided.scatter [tilespmem:s30], [sflag:$0x1], $0xA000, s25, s20, $0x38;
	[tilespmem:$0x1AD00] =	vst v63  }
0x3a: {  	_ =	swait.ge [sflag:s19], $0xA000  }
0x3b: {  	[sflag:s19] =	ssyncset.done $0x0  }
0x3c: {  	[sflag:s19] =	ssyncadd.s32 $0xFFFF6000  }
0x3d: {  	[bflag:$0x0] =	sbarrier.arrive $0xFFFF  }
0x3e: {  	[tilespmem:s30], [sflag:$0x1] =	stream.strided.gather [spmem:s4], $0x1400, s25, s20, $0x38;
	[tilespmem:$0x1AD00] =	vst v63  }
0x3f: {  	_ =	swait.ge [sflag:s19], $0x1400  }
0x40: {  	[sflag:s19] =	ssyncset.done $0x0  }
0x41: {  	[sflag:s19] =	ssyncadd.s32 $0xFFFFEC00  }
0x42: {  	[tilespmem:s26], [sflag:$0x1] =	stream.strided.gather [spmem:s7], $0x1400, s25, s20, $0x38;
	[tilespmem:$0x1AD00] =	vst v63  }
0x43: {  	_ =	swait.ge [sflag:s19], $0x1400  }
0x44: {  	s0 =	simm.s32 $0x0;
	[sflag:s19] =	ssyncset.done $0x0  }
0x45: {  	s0 =	sand.u32 $0x1FF0, s0;
	[sflag:s19] =	ssyncadd.s32 $0xFFFFEC00  }
0x46: {  	s31 =	simm.s32 $0x10;
	v3 =	vld [tilespmem:s0+$0x8080]  }
.LBB2_6:
0x47: {  	p0 =	sne.s32 s31, $0x13F0;
	v4 =	vld [tilespmem:s30+$0x0];
	_ =	sdelay $0x2  }
.Ltmp2:
0x48: {  	(pc) =	sbr.rel @p0 .LBB2_6-.Ltmp2, $4  }
0x49: {  	_ = 	snop  }
0x4a: {  	v3 =	vmax.f32 v4, v3  }
0x4b: {  	s0 =	sand.u32 $0x1FF0, s31;
	[tilespmem:s30+$0x0] =	vst v3  }
0x4c: {  	s31 =	sadd.s32 $0x10, s31;
	s30 =	sadd.s32 $0x10, s30;
	v3 =	vld [tilespmem:s0+$0x8080]  }
0x4d: {  	v4 =	vld [tilespmem:s30+$0x0];
	_ =	sdelay $0x4  }
0x4e: {  	v3 =	vmax.f32 v4, v3  }
0x4f: {  	[tilespmem:s30+$0x0] =	vst v3  }
0x50: {  	[tilespmem:s26], [sflag:$0x1] =	stream.strided.gather [spmem:s8], $0x1400, s25, s20, $0x38;
	[tilespmem:$0x1AD00] =	vst v63  }
0x51: {  	_ =	swait.ge [sflag:s19], $0x1400  }
0x52: {  	s0 =	simm.s32 $0x0;
	[sflag:s19] =	ssyncset.done $0x0  }
0x53: {  	s0 =	sand.u32 $0x1FF0, s0;
	[sflag:s19] =	ssyncadd.s32 $0xFFFFEC00  }
0x54: {  	s31 =	simm.s32 $0x10;
	s30 =	simm.s32 $0x6C80;
	v3 =	vld [tilespmem:s0+$0x8080]  }
.LBB2_8:
0x55: {  	p0 =	sne.s32 s31, $0x13F0;
	v4 =	vld [tilespmem:s30+$0x0];
	_ =	sdelay $0x2  }
.Ltmp3:
0x56: {  	(pc) =	sbr.rel @p0 .LBB2_8-.Ltmp3, $4  }
0x57: {  	_ = 	snop  }
0x58: {  	v3 =	vmax.f32 v4, v3  }
0x59: {  	s0 =	sand.u32 $0x1FF0, s31;
	[tilespmem:s30+$0x0] =	vst v3  }
0x5a: {  	s31 =	sadd.s32 $0x10, s31;
	s30 =	sadd.s32 $0x10, s30;
	v3 =	vld [tilespmem:s0+$0x8080]  }
0x5b: {  	v4 =	vld [tilespmem:s30+$0x0];
	_ =	sdelay $0x4  }
0x5c: {  	v3 =	vmax.f32 v4, v3  }
0x5d: {  	[tilespmem:s30+$0x0] =	vst v3  }
0x5e: {  	[tilespmem:s26], [sflag:$0x1] =	stream.strided.gather [spmem:s9], $0x1400, s25, s20, $0x38;
	[tilespmem:$0x1AD00] =	vst v63  }
0x5f: {  	_ =	swait.ge [sflag:s19], $0x1400  }
0x60: {  	s0 =	simm.s32 $0x0;
	[sflag:s19] =	ssyncset.done $0x0  }
0x61: {  	s0 =	sand.u32 $0x1FF0, s0;
	[sflag:s19] =	ssyncadd.s32 $0xFFFFEC00  }
0x62: {  	s31 =	simm.s32 $0x10;
	s30 =	simm.s32 $0x6C80;
	v3 =	vld [tilespmem:s0+$0x8080]  }
.LBB2_10:
0x63: {  	p0 =	sne.s32 s31, $0x13F0;
	v4 =	vld [tilespmem:s30+$0x0];
	_ =	sdelay $0x2  }
.Ltmp4:
0x64: {  	(pc) =	sbr.rel @p0 .LBB2_10-.Ltmp4, $4  }
0x65: {  	_ = 	snop  }
0x66: {  	v3 =	vmax.f32 v4, v3  }
0x67: {  	s0 =	sand.u32 $0x1FF0, s31;
	[tilespmem:s30+$0x0] =	vst v3  }
0x68: {  	s31 =	sadd.s32 $0x10, s31;
	s30 =	sadd.s32 $0x10, s30;
	v3 =	vld [tilespmem:s0+$0x8080]  }
0x69: {  	v4 =	vld [tilespmem:s30+$0x0];
	_ =	sdelay $0x4  }
0x6a: {  	v3 =	vmax.f32 v4, v3  }
0x6b: {  	[tilespmem:s30+$0x0] =	vst v3  }
0x6c: {  	[tilespmem:s26], [sflag:$0x1] =	stream.strided.gather [spmem:s10], $0x1400, s25, s20, $0x38;
	[tilespmem:$0x1AD00] =	vst v63  }
0x6d: {  	_ =	swait.ge [sflag:s19], $0x1400  }
0x6e: {  	s0 =	simm.s32 $0x0;
	[sflag:s19] =	ssyncset.done $0x0  }
0x6f: {  	s0 =	sand.u32 $0x1FF0, s0;
	[sflag:s19] =	ssyncadd.s32 $0xFFFFEC00  }
0x70: {  	s31 =	simm.s32 $0x10;
	s30 =	simm.s32 $0x6C80;
	v3 =	vld [tilespmem:s0+$0x8080]  }
.LBB2_12:
0x71: {  	p0 =	sne.s32 s31, $0x13F0;
	v4 =	vld [tilespmem:s30+$0x0];
	_ =	sdelay $0x2  }
.Ltmp5:
0x72: {  	(pc) =	sbr.rel @p0 .LBB2_12-.Ltmp5, $4  }
0x73: {  	_ = 	snop  }
0x74: {  	v3 =	vmax.f32 v4, v3  }
0x75: {  	s0 =	sand.u32 $0x1FF0, s31;
	[tilespmem:s30+$0x0] =	vst v3  }
0x76: {  	s31 =	sadd.s32 $0x10, s31;
	s30 =	sadd.s32 $0x10, s30;
	v3 =	vld [tilespmem:s0+$0x8080]  }
0x77: {  	v4 =	vld [tilespmem:s30+$0x0];
	_ =	sdelay $0x4  }
0x78: {  	v3 =	vmax.f32 v4, v3  }
0x79: {  	[tilespmem:s30+$0x0] =	vst v3  }
0x7a: {  	[tilespmem:s26], [sflag:$0x1] =	stream.strided.gather [spmem:s11], $0x1400, s25, s20, $0x38;
	[tilespmem:$0x1AD00] =	vst v63  }
0x7b: {  	_ =	swait.ge [sflag:s19], $0x1400  }
0x7c: {  	s0 =	simm.s32 $0x0;
	[sflag:s19] =	ssyncset.done $0x0  }
0x7d: {  	s0 =	sand.u32 $0x1FF0, s0;
	[sflag:s19] =	ssyncadd.s32 $0xFFFFEC00  }
0x7e: {  	s31 =	simm.s32 $0x10;
	s30 =	simm.s32 $0x6C80;
	v3 =	vld [tilespmem:s0+$0x8080]  }
.LBB2_14:
0x7f: {  	p0 =	sne.s32 s31, $0x13F0;
	v4 =	vld [tilespmem:s30+$0x0];
	_ =	sdelay $0x2  }
.Ltmp6:
0x80: {  	(pc) =	sbr.rel @p0 .LBB2_14-.Ltmp6, $4  }
0x81: {  	_ = 	snop  }
0x82: {  	v3 =	vmax.f32 v4, v3  }
0x83: {  	s0 =	sand.u32 $0x1FF0, s31;
	[tilespmem:s30+$0x0] =	vst v3  }
0x84: {  	s31 =	sadd.s32 $0x10, s31;
	s30 =	sadd.s32 $0x10, s30;
	v3 =	vld [tilespmem:s0+$0x8080]  }
0x85: {  	v4 =	vld [tilespmem:s30+$0x0];
	_ =	sdelay $0x4  }
0x86: {  	v3 =	vmax.f32 v4, v3  }
0x87: {  	[tilespmem:s30+$0x0] =	vst v3  }
0x88: {  	[tilespmem:s26], [sflag:$0x1] =	stream.strided.gather [spmem:s12], $0x1400, s25, s20, $0x38;
	[tilespmem:$0x1AD00] =	vst v63  }
0x89: {  	_ =	swait.ge [sflag:s19], $0x1400  }
0x8a: {  	s0 =	simm.s32 $0x0;
	[sflag:s19] =	ssyncset.done $0x0  }
0x8b: {  	s0 =	sand.u32 $0x1FF0, s0;
	[sflag:s19] =	ssyncadd.s32 $0xFFFFEC00  }
0x8c: {  	s31 =	simm.s32 $0x10;
	s30 =	simm.s32 $0x6C80;
	v3 =	vld [tilespmem:s0+$0x8080]  }
.LBB2_16:
0x8d: {  	p0 =	sne.s32 s31, $0x13F0;
	v4 =	vld [tilespmem:s30+$0x0];
	_ =	sdelay $0x2  }
.Ltmp7:
0x8e: {  	(pc) =	sbr.rel @p0 .LBB2_16-.Ltmp7, $4  }
0x8f: {  	_ = 	snop  }
0x90: {  	v3 =	vmax.f32 v4, v3  }
0x91: {  	s0 =	sand.u32 $0x1FF0, s31;
	[tilespmem:s30+$0x0] =	vst v3  }
0x92: {  	s31 =	sadd.s32 $0x10, s31;
	s30 =	sadd.s32 $0x10, s30;
	v3 =	vld [tilespmem:s0+$0x8080]  }
0x93: {  	v4 =	vld [tilespmem:s30+$0x0];
	_ =	sdelay $0x4  }
0x94: {  	v3 =	vmax.f32 v4, v3  }
0x95: {  	[tilespmem:s30+$0x0] =	vst v3  }
0x96: {  	[tilespmem:s26], [sflag:$0x1] =	stream.strided.gather [spmem:s13], $0x1400, s25, s20, $0x38;
	[tilespmem:$0x1AD00] =	vst v63  }
0x97: {  	_ =	swait.ge [sflag:s19], $0x1400  }
0x98: {  	s0 =	simm.s32 $0x0;
	[sflag:s19] =	ssyncset.done $0x0  }
0x99: {  	s0 =	sand.u32 $0x1FF0, s0;
	[sflag:s19] =	ssyncadd.s32 $0xFFFFEC00  }
0x9a: {  	s31 =	simm.s32 $0x10;
	s30 =	simm.s32 $0x6C80;
	v3 =	vld [tilespmem:s0+$0x8080]  }
.LBB2_18:
0x9b: {  	p0 =	sne.s32 s31, $0x13F0;
	v4 =	vld [tilespmem:s30+$0x0];
	_ =	sdelay $0x2  }
.Ltmp8:
0x9c: {  	(pc) =	sbr.rel @p0 .LBB2_18-.Ltmp8, $4  }
0x9d: {  	_ = 	snop  }
0x9e: {  	v3 =	vmax.f32 v4, v3  }
0x9f: {  	s0 =	sand.u32 $0x1FF0, s31;
	[tilespmem:s30+$0x0] =	vst v3  }
0xa0: {  	s31 =	sadd.s32 $0x10, s31;
	s30 =	sadd.s32 $0x10, s30;
	v3 =	vld [tilespmem:s0+$0x8080]  }
0xa1: {  	v4 =	vld [tilespmem:s30+$0x0];
	_ =	sdelay $0x3  }
0xa2: {  	s29 =	sadd.s32 $0x1, s29  }
0xa3: {  	p0 =	sne.s32 s29, s6;
	v3 =	vmax.f32 v4, v3  }
.Ltmp9:
0xa4: {  	[tilespmem:s30+$0x0] =	vst v3;
	(pc) =	sbr.rel @p0 .LBB2_1-.Ltmp9, $4  }
0xa5: {  	[hbm4b:s5+s20] =	stream.strided.scatter [tilespmem:s28], [sflag:$0x1], $0x1400, s21, s20, $0x38;
	[tilespmem:$0x1AD00] =	vst v63  }
0xa6: {  	_ =	swait.ge [sflag:s19], $0x1400  }
0xa7: {  	[sflag:s19] =	ssyncset.done $0x0  }
0xa8: {  	[sflag:s19] =	ssyncadd.s32 $0xFFFFEC00  }
0xa9: {  	_ =	sfence.sel $0x180000  }
0xaa: {  	[bflag:$0x0] =	sbarrier.arrive $0xFFFF  }
0xab: {  	_ =	strace $0x90000047  }
0xac: {  	s0 =	stileid.u32;
	[bflag:$0x2] =	sbarrier.arrive $0xFFFF  }
0xad: {  	p0 =	sne.s32 s0, $0x0;
	s0 =	rddreg [dreg:$0x2]  }
0xae: {  	s0 =	sadd.s32 @!p0 $0x100000, s0  }
0xaf: {  	[sflag:s0] =	ssyncadd.tile.s32 @!p0 $0x1;
	_ =	shalt  }
.Lfunc_end2:
_tile_overlayer_lowered:
.L_overlay_start_2:
0xb0: {  	(tag) =	ssettag $0x2  }
0xb1: {  	s0 =	rddreg [dreg:$0x0];
	s2 =	stileid.u32  }
0xb2: {  	s1 =	rddreg [dreg:$0x1];
	p0 =	sne.s32 s2, $0x0  }
0xb3: {  	s3 =	rddreg [dreg:$0x2];
	[bflag:$0x3] =	sbarrier.arrive $0xFFFF;
	s2 =	simm.s32 @!p0 $0x1C01  }
0xb4: {  	[timem:s3], [sflag:s2] =	dma.local @!p0 [hbm:s0], s1  }
0xb5: {  	s0 =	simm.s32 @!p0 $0x1  }
0xb6: {  	_ =	swait.ge @!p0 [sflag:s0], s1  }
0xb7: {  	s1 =	ssub.s32 @!p0 $0x0, s1;
	[sflag:s0] =	ssyncset.done @!p0 $0x0  }
0xb8: {  	[sflag:s0] =	ssyncadd.s32 @!p0 s1  }
0xb9: {  	[bflag:$0x3] =	sbarrier.arrive $0xFFFF  }
0xba: {  	_ =	shalt  }

</sc_bundles>
